<compile_context>
chip_gen: v7x
topology: tpu7x:2x2x1
jax: 0.10.2.dev20260603
libtpu: 0.0.44.dev20260713+nightly
codegen_flags: <defaults>
</compile_context>

<pallas_src>
import functools

import jax
import jax.numpy as jnp
from jax import lax
from jax.experimental import pallas as pl
from jax.experimental.pallas import tpu as pltpu
from jax.experimental.pallas import tpu_sc as plsc

NUM_VIRTUAL_TOKENS = 20
TOKEN_DIM = 768
NUM_LAYERS = 12
EMBED_DIM = 2 * NUM_LAYERS * TOKEN_DIM
BATCH = 128

_INFO = plsc.get_sparse_core_info()
_NC = _INFO.num_cores
_NS = _INFO.num_subcores
_NW = _NC * _NS

_B = BATCH * NUM_VIRTUAL_TOKENS
_NG = 2
_NCH = _NW // _NG
_ROWS_PER_G = _B // _NG
_DC = EMBED_DIM // _NCH

@functools.partial(
    pl.kernel,
    mesh=plsc.VectorSubcoreMesh(core_axis_name="c", subcore_axis_name="s"),
    out_type=jax.ShapeDtypeStruct((_B, EMBED_DIM), jnp.float32),
    scratch_types=[
        pltpu.VMEM((_ROWS_PER_G,), jnp.int32),
        pltpu.VMEM((NUM_VIRTUAL_TOKENS, _DC), jnp.float32),
        pltpu.SemaphoreType.DMA,
    ],
)
def _sc_gather(idx_hbm, table_hbm, out_hbm, idx_v, tab_v, sem):
    wid = lax.axis_index("c") * _NS + lax.axis_index("s")
    g = wid // _NCH
    c = wid % _NCH
    col0 = c * _DC
    base = g * _ROWS_PER_G

    pltpu.sync_copy(idx_hbm.at[g], idx_v)
    pltpu.sync_copy(table_hbm.at[:, pl.ds(col0, _DC)], tab_v)

    def issue(rb, carry):
        vec = idx_v[pl.ds(rb * 16, 16)]
        for k in range(16):
            v = vec[k]
            dst = out_hbm.at[base + rb * 16 + k, pl.ds(col0, _DC)]
            pltpu.async_copy(tab_v.at[v], dst, sem)
        return carry

    lax.fori_loop(0, _ROWS_PER_G // 16, issue, 0)

    def drain(r, carry):
        pltpu.make_async_copy(
            tab_v.at[0], out_hbm.at[base + r, pl.ds(col0, _DC)], sem
        ).wait()
        return carry

    lax.fori_loop(0, _ROWS_PER_G, drain, 0)


def kernel(prefix, embedding_weight):
    idx = prefix.astype(jnp.int32).T.reshape(_NG, _ROWS_PER_G)
    out = _sc_gather(idx, embedding_weight)
    out = out.reshape(NUM_VIRTUAL_TOKENS, BATCH, EMBED_DIM)
    return out.transpose(1, 0, 2)

# --- scband reference (transcript-rebuilt; emitter-appended) ---
"""Pipeline reference for scband-prefix-encoder-36309653520937 (READ-ONLY COPY).

The authoritative reference and input builder live on the scoring server;
editing this copy changes nothing except your own understanding.
"""

import jax, jax.numpy as jnp
import numpy as np

NUM_VIRTUAL_TOKENS = 20
TOKEN_DIM = 768
NUM_LAYERS = 12
EMBED_DIM = 2 * NUM_LAYERS * TOKEN_DIM  # 18432
BATCH = 128


def setup_inputs(seed: int = 0) -> dict:
    key = jax.random.key(seed)
    k1, k2 = jax.random.split(key)
    prefix = jax.random.randint(k1, (BATCH, NUM_VIRTUAL_TOKENS), 0, NUM_VIRTUAL_TOKENS, dtype=jnp.int64 if jax.config.jax_enable_x64 else jnp.int32)
    # Embedding table of PrefixEncoder (non-projection / inference_mode path):
    # shape [num_virtual_tokens, num_layers * 2 * token_dim]. In the torch module it is
    # initialized from tiled word-embedding rows; here we materialize an equivalent
    # float32 parameter with random values.
    embedding_weight = jax.random.normal(k2, (NUM_VIRTUAL_TOKENS, EMBED_DIM), dtype=jnp.float32)
    return {"prefix": prefix, "embedding_weight": embedding_weight}


def reference(prefix, embedding_weight):
    # prefix_projection is False -> forward is a plain embedding lookup:
    # past_key_values = self.embedding(prefix)
    past_key_values = jnp.take(embedding_weight, prefix, axis=0)
    return past_key_values

if __name__ == "__main__":
    import jax
    _d = setup_inputs()
    print(jax.jit(kernel)(*tuple(_d.values())))

</pallas_src>

<mosaic_0001>
#map = affine_map<(d0, d1) -> (0, 0)>
module attributes {stable_mosaic.version = 14 : i64} {
  func.func @_sc_gather(%arg0: i32, %arg1: i32, %arg2: memref<2x1280xi32, #tpu.memory_space<hbm>>, %arg3: memref<20x18432xf32, #tpu.memory_space<hbm>>, %arg4: memref<2560x18432xf32, #tpu.memory_space<hbm>>, %arg5: memref<1280xi32, #tpu.memory_space<vmem>>, %arg6: memref<20x1152xf32, #tpu.memory_space<vmem>>, %arg7: memref<!tpu.dma_semaphore, #tpu.memory_space<semaphore_mem>>) attributes {dimension_semantics = [#tpu.dimension_semantics<core_parallel>, #tpu.dimension_semantics<subcore_parallel>], iteration_bounds = array<i64: 2, 16>, scalar_prefetch = 0 : i64, scratch_operands = 3 : i64, tpu.core_type = #tpu.core_type<sc_vector_subcore>, window_params = [{transform_indices = #map}, {transform_indices = #map}, {transform_indices = #map}]} {
    %mul3A = arith.constant 16 : i32
    %mul3A_0 = arith.muli %arg0, %mul3A : i32
    %add3A = arith.addi %mul3A_0, %arg1 : i32
    %jit3A = arith.constant 16 : i32
    %div3A = arith.divsi %add3A, %jit3A : i32
    %sign3A = arith.constant 0 : i32
    %sign3A_1 = arith.cmpi sgt, %add3A, %sign3A : i32
    %sign3A_2 = arith.extui %sign3A_1 : i1 to i32
    %sign3A_3 = arith.constant 0 : i32
    %sign3A_4 = arith.cmpi slt, %add3A, %sign3A_3 : i32
    %sign3A_5 = arith.extui %sign3A_4 : i1 to i32
    %sign3A_6 = arith.subi %sign3A_2, %sign3A_5 : i32
    %sign3A_7 = arith.constant 0 : i32
    %sign3A_8 = arith.cmpi sgt, %jit3A, %sign3A_7 : i32
    %sign3A_9 = arith.extui %sign3A_8 : i1 to i32
    %sign3A_10 = arith.constant 0 : i32
    %sign3A_11 = arith.cmpi slt, %jit3A, %sign3A_10 : i32
    %sign3A_12 = arith.extui %sign3A_11 : i1 to i32
    %sign3A_13 = arith.subi %sign3A_9, %sign3A_12 : i32
    %ne3A = arith.cmpi ne, %sign3A_6, %sign3A_13 : i32
    %rem3A = arith.remsi %add3A, %jit3A : i32
    %ne3A_14 = arith.constant 0 : i32
    %ne3A_15 = arith.cmpi ne, %rem3A, %ne3A_14 : i32
    %and3A = arith.andi %ne3A, %ne3A_15 : i1
    %sub3A = arith.constant 1 : i32
    %sub3A_16 = arith.subi %div3A, %sub3A : i32
    %select_n3A = arith.select %and3A, %sub3A_16, %div3A : i32
    %jit3A_17 = arith.constant 16 : i32
    %eq3A = arith.constant 0 : i32
    %eq3A_18 = arith.cmpi eq, %jit3A_17, %eq3A : i32
    %jit3A_19 = arith.constant 1 : i32
    %select_n3A_20 = arith.select %eq3A_18, %jit3A_19, %jit3A_17 : i32
    %rem3A_21 = arith.remsi %add3A, %select_n3A_20 : i32
    %ne3A_22 = arith.constant 0 : i32
    %ne3A_23 = arith.cmpi ne, %rem3A_21, %ne3A_22 : i32
    %lt3A = arith.constant 0 : i32
    %lt3A_24 = arith.cmpi slt, %rem3A_21, %lt3A : i32
    %lt3A_25 = arith.constant 0 : i32
    %lt3A_26 = arith.cmpi slt, %select_n3A_20, %lt3A_25 : i32
    %ne3A_27 = arith.xori %lt3A_24, %lt3A_26 : i1
    %and3A_28 = arith.andi %ne3A_27, %ne3A_23 : i1
    %add3A_29 = arith.addi %rem3A_21, %select_n3A_20 : i32
    %select_n3A_30 = arith.select %and3A_28, %add3A_29, %rem3A_21 : i32
    %mul3A_31 = arith.constant 1152 : i32
    %mul3A_32 = arith.muli %select_n3A_30, %mul3A_31 : i32
    %mul3A_33 = arith.constant 1280 : i32
    %mul3A_34 = arith.muli %select_n3A, %mul3A_33 : i32
    "tpu.region"() ({
      %run_scoped3A = tpu.sem_alloc : memref<!tpu.dma_semaphore, #tpu.memory_space<semaphore_mem>>
      %dma_start3A = arith.constant 0 : i32
      %dma_start3A_46 = tpu.memref_slice %arg2[%select_n3A, %dma_start3A] : memref<2x1280xi32, #tpu.memory_space<hbm>> -> memref<1x1280xi32, #tpu.memory_space<hbm>>
      %dma_start3A_47 = tpu.memref_squeeze %dma_start3A_46 : memref<1x1280xi32, #tpu.memory_space<hbm>> -> memref<1280xi32, #tpu.memory_space<hbm>>
      %dma_start3A_48 = arith.constant 0 : i32
      %dma_start3A_49 = tpu.memref_slice %arg2[%select_n3A, %dma_start3A_48] : memref<2x1280xi32, #tpu.memory_space<hbm>> -> memref<1x1280xi32, #tpu.memory_space<hbm>>
      %dma_start3A_50 = tpu.memref_squeeze %dma_start3A_49 : memref<1x1280xi32, #tpu.memory_space<hbm>> -> memref<1280xi32, #tpu.memory_space<hbm>>
      tpu.enqueue_dma source(%dma_start3A_50 : memref<1280xi32, #tpu.memory_space<hbm>>) target(%arg5 : memref<1280xi32, #tpu.memory_space<vmem>>) target_semaphore(%run_scoped3A : memref<!tpu.dma_semaphore, #tpu.memory_space<semaphore_mem>>)
      %dma_wait3A = arith.constant 0 : i32
      %dma_wait3A_51 = tpu.memref_slice %arg2[%select_n3A, %dma_wait3A] : memref<2x1280xi32, #tpu.memory_space<hbm>> -> memref<1x1280xi32, #tpu.memory_space<hbm>>
      %dma_wait3A_52 = tpu.memref_squeeze %dma_wait3A_51 : memref<1x1280xi32, #tpu.memory_space<hbm>> -> memref<1280xi32, #tpu.memory_space<hbm>>
      %dma_wait3A_53 = arith.constant 0 : i32
      %dma_wait3A_54 = tpu.memref_slice %arg2[%select_n3A, %dma_wait3A_53] : memref<2x1280xi32, #tpu.memory_space<hbm>> -> memref<1x1280xi32, #tpu.memory_space<hbm>>
      %dma_wait3A_55 = tpu.memref_squeeze %dma_wait3A_54 : memref<1x1280xi32, #tpu.memory_space<hbm>> -> memref<1280xi32, #tpu.memory_space<hbm>>
      tpu.wait_dma2 semaphore(%run_scoped3A : memref<!tpu.dma_semaphore, #tpu.memory_space<semaphore_mem>>) src(%dma_wait3A_55 : memref<1280xi32, #tpu.memory_space<hbm>>) dst(%arg5 : memref<1280xi32, #tpu.memory_space<vmem>>)
      tpu.yield
    }) : () -> ()
    "tpu.region"() ({
      %run_scoped3A = tpu.sem_alloc : memref<!tpu.dma_semaphore, #tpu.memory_space<semaphore_mem>>
      %dma_start3A = arith.constant 0 : i32
      %dma_start3A_46 = tpu.memref_slice %arg3[%dma_start3A, %mul3A_32] : memref<20x18432xf32, #tpu.memory_space<hbm>> -> memref<20x1152xf32, #tpu.memory_space<hbm>>
      %dma_start3A_47 = arith.constant 0 : i32
      %dma_start3A_48 = tpu.memref_slice %arg3[%dma_start3A_47, %mul3A_32] : memref<20x18432xf32, #tpu.memory_space<hbm>> -> memref<20x1152xf32, #tpu.memory_space<hbm>>
      tpu.enqueue_dma source(%dma_start3A_48 : memref<20x1152xf32, #tpu.memory_space<hbm>>) target(%arg6 : memref<20x1152xf32, #tpu.memory_space<vmem>>) target_semaphore(%run_scoped3A : memref<!tpu.dma_semaphore, #tpu.memory_space<semaphore_mem>>)
      %dma_wait3A = arith.constant 0 : i32
      %dma_wait3A_49 = tpu.memref_slice %arg3[%dma_wait3A, %mul3A_32] : memref<20x18432xf32, #tpu.memory_space<hbm>> -> memref<20x1152xf32, #tpu.memory_space<hbm>>
      %dma_wait3A_50 = arith.constant 0 : i32
      %dma_wait3A_51 = tpu.memref_slice %arg3[%dma_wait3A_50, %mul3A_32] : memref<20x18432xf32, #tpu.memory_space<hbm>> -> memref<20x1152xf32, #tpu.memory_space<hbm>>
      tpu.wait_dma2 semaphore(%run_scoped3A : memref<!tpu.dma_semaphore, #tpu.memory_space<semaphore_mem>>) src(%dma_wait3A_51 : memref<20x1152xf32, #tpu.memory_space<hbm>>) dst(%arg6 : memref<20x1152xf32, #tpu.memory_space<vmem>>)
      tpu.yield
    }) : () -> ()
    %scan3A = arith.constant 0 : i32
    %scan3A_35 = arith.constant 0 : i32
    %scan3A_36 = arith.constant 80 : i32
    %scan3A_37 = arith.addi %scan3A_35, %scan3A_36 : i32
    %scan3A_38 = arith.constant 1 : i32
    scf.for %scan3A_46 = %scan3A_35 to %scan3A_37 step %scan3A_38  : i32 {
      %mul3A_47 = arith.constant 16 : i32
      %mul3A_48 = arith.muli %scan3A_46, %mul3A_47 : i32
      %get3A = arith.index_cast %mul3A_48 : i32 to index
      %get3A_49 = tpu.vector_load %arg5[%get3A] {strides = array<i32>} : memref<1280xi32, #tpu.memory_space<vmem>>, vector<16xi32>,
      %get3A_50 = vector.shape_cast %get3A_49 : vector<16xi32> to vector<16xi32>
      %slice3A = vector.extract_strided_slice %get3A_50 {offsets = [0], sizes = [1], strides = [1]} : vector<16xi32> to vector<1xi32>
      %squeeze3A = vector.extract %slice3A[0] : i32 from vector<1xi32>
      %mul3A_51 = arith.constant 16 : i32
      %mul3A_52 = arith.muli %scan3A_46, %mul3A_51 : i32
      %add3A_53 = arith.addi %mul3A_34, %mul3A_52 : i32
      %add3A_54 = arith.constant 0 : i32
      %add3A_55 = arith.addi %add3A_53, %add3A_54 : i32
      %dma_start3A = arith.constant 0 : i32
      %dma_start3A_56 = tpu.memref_slice %arg6[%squeeze3A, %dma_start3A] : memref<20x1152xf32, #tpu.memory_space<vmem>> -> memref<1x1152xf32, #tpu.memory_space<vmem>>
      %dma_start3A_57 = tpu.memref_squeeze %dma_start3A_56 : memref<1x1152xf32, #tpu.memory_space<vmem>> -> memref<1152xf32, #tpu.memory_space<vmem>>
      %dma_start3A_58 = tpu.memref_slice %arg4[%add3A_55, %mul3A_32] : memref<2560x18432xf32, #tpu.memory_space<hbm>> -> memref<1x1152xf32, #tpu.memory_space<hbm>>
      %dma_start3A_59 = tpu.memref_squeeze %dma_start3A_58 : memref<1x1152xf32, #tpu.memory_space<hbm>> -> memref<1152xf32, #tpu.memory_space<hbm>>
      %dma_start3A_60 = tpu.memref_slice %arg4[%add3A_55, %mul3A_32] : memref<2560x18432xf32, #tpu.memory_space<hbm>> -> memref<1x1152xf32, #tpu.memory_space<hbm>>
      %dma_start3A_61 = tpu.memref_squeeze %dma_start3A_60 : memref<1x1152xf32, #tpu.memory_space<hbm>> -> memref<1152xf32, #tpu.memory_space<hbm>>
      %dma_start3A_62 = arith.constant 0 : i32
      %dma_start3A_63 = tpu.memref_slice %arg6[%squeeze3A, %dma_start3A_62] : memref<20x1152xf32, #tpu.memory_space<vmem>> -> memref<1x1152xf32, #tpu.memory_space<vmem>>
      %dma_start3A_64 = tpu.memref_squeeze %dma_start3A_63 : memref<1x1152xf32, #tpu.memory_space<vmem>> -> memref<1152xf32, #tpu.memory_space<vmem>>
      tpu.enqueue_dma source(%dma_start3A_64 : memref<1152xf32, #tpu.memory_space<vmem>>) target(%dma_start3A_61 : memref<1152xf32, #tpu.memory_space<hbm>>) target_semaphore(%arg7 : memref<!tpu.dma_semaphore, #tpu.memory_space<semaphore_mem>>)
      %slice3A_65 = vector.extract_strided_slice %get3A_50 {offsets = [1], sizes = [1], strides = [1]} : vector<16xi32> to vector<1xi32>
      %squeeze3A_66 = vector.extract %slice3A_65[0] : i32 from vector<1xi32>
      %mul3A_67 = arith.constant 16 : i32
      %mul3A_68 = arith.muli %scan3A_46, %mul3A_67 : i32
      %add3A_69 = arith.addi %mul3A_34, %mul3A_68 : i32
      %add3A_70 = arith.constant 1 : i32
      %add3A_71 = arith.addi %add3A_69, %add3A_70 : i32
      %dma_start3A_72 = arith.constant 0 : i32
      %dma_start3A_73 = tpu.memref_slice %arg6[%squeeze3A_66, %dma_start3A_72] : memref<20x1152xf32, #tpu.memory_space<vmem>> -> memref<1x1152xf32, #tpu.memory_space<vmem>>
      %dma_start3A_74 = tpu.memref_squeeze %dma_start3A_73 : memref<1x1152xf32, #tpu.memory_space<vmem>> -> memref<1152xf32, #tpu.memory_space<vmem>>
      %dma_start3A_75 = tpu.memref_slice %arg4[%add3A_71, %mul3A_32] : memref<2560x18432xf32, #tpu.memory_space<hbm>> -> memref<1x1152xf32, #tpu.memory_space<hbm>>
      %dma_start3A_76 = tpu.memref_squeeze %dma_start3A_75 : memref<1x1152xf32, #tpu.memory_space<hbm>> -> memref<1152xf32, #tpu.memory_space<hbm>>
      %dma_start3A_77 = tpu.memref_slice %arg4[%add3A_71, %mul3A_32] : memref<2560x18432xf32, #tpu.memory_space<hbm>> -> memref<1x1152xf32, #tpu.memory_space<hbm>>
      %dma_start3A_78 = tpu.memref_squeeze %dma_start3A_77 : memref<1x1152xf32, #tpu.memory_space<hbm>> -> memref<1152xf32, #tpu.memory_space<hbm>>
      %dma_start3A_79 = arith.constant 0 : i32
      %dma_start3A_80 = tpu.memref_slice %arg6[%squeeze3A_66, %dma_start3A_79] : memref<20x1152xf32, #tpu.memory_space<vmem>> -> memref<1x1152xf32, #tpu.memory_space<vmem>>
      %dma_start3A_81 = tpu.memref_squeeze %dma_start3A_80 : memref<1x1152xf32, #tpu.memory_space<vmem>> -> memref<1152xf32, #tpu.memory_space<vmem>>
      tpu.enqueue_dma source(%dma_start3A_81 : memref<1152xf32, #tpu.memory_space<vmem>>) target(%dma_start3A_78 : memref<1152xf32, #tpu.memory_space<hbm>>) target_semaphore(%arg7 : memref<!tpu.dma_semaphore, #tpu.memory_space<semaphore_mem>>)
      %slice3A_82 = vector.extract_strided_slice %get3A_50 {offsets = [2], sizes = [1], strides = [1]} : vector<16xi32> to vector<1xi32>
      %squeeze3A_83 = vector.extract %slice3A_82[0] : i32 from vector<1xi32>
      %mul3A_84 = arith.constant 16 : i32
      %mul3A_85 = arith.muli %scan3A_46, %mul3A_84 : i32
      %add3A_86 = arith.addi %mul3A_34, %mul3A_85 : i32
      %add3A_87 = arith.constant 2 : i32
      %add3A_88 = arith.addi %add3A_86, %add3A_87 : i32
      %dma_start3A_89 = arith.constant 0 : i32
      %dma_start3A_90 = tpu.memref_slice %arg6[%squeeze3A_83, %dma_start3A_89] : memref<20x1152xf32, #tpu.memory_space<vmem>> -> memref<1x1152xf32, #tpu.memory_space<vmem>>
      %dma_start3A_91 = tpu.memref_squeeze %dma_start3A_90 : memref<1x1152xf32, #tpu.memory_space<vmem>> -> memref<1152xf32, #tpu.memory_space<vmem>>
      %dma_start3A_92 = tpu.memref_slice %arg4[%add3A_88, %mul3A_32] : memref<2560x18432xf32, #tpu.memory_space<hbm>> -> memref<1x1152xf32, #tpu.memory_space<hbm>>
      %dma_start3A_93 = tpu.memref_squeeze %dma_start3A_92 : memref<1x1152xf32, #tpu.memory_space<hbm>> -> memref<1152xf32, #tpu.memory_space<hbm>>
      %dma_start3A_94 = tpu.memref_slice %arg4[%add3A_88, %mul3A_32] : memref<2560x18432xf32, #tpu.memory_space<hbm>> -> memref<1x1152xf32, #tpu.memory_space<hbm>>
      %dma_start3A_95 = tpu.memref_squeeze %dma_start3A_94 : memref<1x1152xf32, #tpu.memory_space<hbm>> -> memref<1152xf32, #tpu.memory_space<hbm>>
      %dma_start3A_96 = arith.constant 0 : i32
      %dma_start3A_97 = tpu.memref_slice %arg6[%squeeze3A_83, %dma_start3A_96] : memref<20x1152xf32, #tpu.memory_space<vmem>> -> memref<1x1152xf32, #tpu.memory_space<vmem>>
      %dma_start3A_98 = tpu.memref_squeeze %dma_start3A_97 : memref<1x1152xf32, #tpu.memory_space<vmem>> -> memref<1152xf32, #tpu.memory_space<vmem>>
      tpu.enqueue_dma source(%dma_start3A_98 : memref<1152xf32, #tpu.memory_space<vmem>>) target(%dma_start3A_95 : memref<1152xf32, #tpu.memory_space<hbm>>) target_semaphore(%arg7 : memref<!tpu.dma_semaphore, #tpu.memory_space<semaphore_mem>>)
      %slice3A_99 = vector.extract_strided_slice %get3A_50 {offsets = [3], sizes = [1], strides = [1]} : vector<16xi32> to vector<1xi32>
      %squeeze3A_100 = vector.extract %slice3A_99[0] : i32 from vector<1xi32>
      %mul3A_101 = arith.constant 16 : i32
      %mul3A_102 = arith.muli %scan3A_46, %mul3A_101 : i32
      %add3A_103 = arith.addi %mul3A_34, %mul3A_102 : i32
      %add3A_104 = arith.constant 3 : i32
      %add3A_105 = arith.addi %add3A_103, %add3A_104 : i32
      %dma_start3A_106 = arith.constant 0 : i32
      %dma_start3A_107 = tpu.memref_slice %arg6[%squeeze3A_100, %dma_start3A_106] : memref<20x1152xf32, #tpu.memory_space<vmem>> -> memref<1x1152xf32, #tpu.memory_space<vmem>>
      %dma_start3A_108 = tpu.memref_squeeze %dma_start3A_107 : memref<1x1152xf32, #tpu.memory_space<vmem>> -> memref<1152xf32, #tpu.memory_space<vmem>>
      %dma_start3A_109 = tpu.memref_slice %arg4[%add3A_105, %mul3A_32] : memref<2560x18432xf32, #tpu.memory_space<hbm>> -> memref<1x1152xf32, #tpu.memory_space<hbm>>
      %dma_start3A_110 = tpu.memref_squeeze %dma_start3A_109 : memref<1x1152xf32, #tpu.memory_space<hbm>> -> memref<1152xf32, #tpu.memory_space<hbm>>
      %dma_start3A_111 = tpu.memref_slice %arg4[%add3A_105, %mul3A_32] : memref<2560x18432xf32, #tpu.memory_space<hbm>> -> memref<1x1152xf32, #tpu.memory_space<hbm>>
      %dma_start3A_112 = tpu.memref_squeeze %dma_start3A_111 : memref<1x1152xf32, #tpu.memory_space<hbm>> -> memref<1152xf32, #tpu.memory_space<hbm>>
      %dma_start3A_113 = arith.constant 0 : i32
      %dma_start3A_114 = tpu.memref_slice %arg6[%squeeze3A_100, %dma_start3A_113] : memref<20x1152xf32, #tpu.memory_space<vmem>> -> memref<1x1152xf32, #tpu.memory_space<vmem>>
      %dma_start3A_115 = tpu.memref_squeeze %dma_start3A_114 : memref<1x1152xf32, #tpu.memory_space<vmem>> -> memref<1152xf32, #tpu.memory_space<vmem>>
      tpu.enqueue_dma source(%dma_start3A_115 : memref<1152xf32, #tpu.memory_space<vmem>>) target(%dma_start3A_112 : memref<1152xf32, #tpu.memory_space<hbm>>) target_semaphore(%arg7 : memref<!tpu.dma_semaphore, #tpu.memory_space<semaphore_mem>>)
      %slice3A_116 = vector.extract_strided_slice %get3A_50 {offsets = [4], sizes = [1], strides = [1]} : vector<16xi32> to vector<1xi32>
      %squeeze3A_117 = vector.extract %slice3A_116[0] : i32 from vector<1xi32>
      %mul3A_118 = arith.constant 16 : i32
      %mul3A_119 = arith.muli %scan3A_46, %mul3A_118 : i32
      %add3A_120 = arith.addi %mul3A_34, %mul3A_119 : i32
      %add3A_121 = arith.constant 4 : i32
      %add3A_122 = arith.addi %add3A_120, %add3A_121 : i32
      %dma_start3A_123 = arith.constant 0 : i32
      %dma_start3A_124 = tpu.memref_slice %arg6[%squeeze3A_117, %dma_start3A_123] : memref<20x1152xf32, #tpu.memory_space<vmem>> -> memref<1x1152xf32, #tpu.memory_space<vmem>>
      %dma_start3A_125 = tpu.memref_squeeze %dma_start3A_124 : memref<1x1152xf32, #tpu.memory_space<vmem>> -> memref<1152xf32, #tpu.memory_space<vmem>>
      %dma_start3A_126 = tpu.memref_slice %arg4[%add3A_122, %mul3A_32] : memref<2560x18432xf32, #tpu.memory_space<hbm>> -> memref<1x1152xf32, #tpu.memory_space<hbm>>
      %dma_start3A_127 = tpu.memref_squeeze %dma_start3A_126 : memref<1x1152xf32, #tpu.memory_space<hbm>> -> memref<1152xf32, #tpu.memory_space<hbm>>
      %dma_start3A_128 = tpu.memref_slice %arg4[%add3A_122, %mul3A_32] : memref<2560x18432xf32, #tpu.memory_space<hbm>> -> memref<1x1152xf32, #tpu.memory_space<hbm>>
      %dma_start3A_129 = tpu.memref_squeeze %dma_start3A_128 : memref<1x1152xf32, #tpu.memory_space<hbm>> -> memref<1152xf32, #tpu.memory_space<hbm>>
      %dma_start3A_130 = arith.constant 0 : i32
      %dma_start3A_131 = tpu.memref_slice %arg6[%squeeze3A_117, %dma_start3A_130] : memref<20x1152xf32, #tpu.memory_space<vmem>> -> memref<1x1152xf32, #tpu.memory_space<vmem>>
      %dma_start3A_132 = tpu.memref_squeeze %dma_start3A_131 : memref<1x1152xf32, #tpu.memory_space<vmem>> -> memref<1152xf32, #tpu.memory_space<vmem>>
      tpu.enqueue_dma source(%dma_start3A_132 : memref<1152xf32, #tpu.memory_space<vmem>>) target(%dma_start3A_129 : memref<1152xf32, #tpu.memory_space<hbm>>) target_semaphore(%arg7 : memref<!tpu.dma_semaphore, #tpu.memory_space<semaphore_mem>>)
      %slice3A_133 = vector.extract_strided_slice %get3A_50 {offsets = [5], sizes = [1], strides = [1]} : vector<16xi32> to vector<1xi32>
      %squeeze3A_134 = vector.extract %slice3A_133[0] : i32 from vector<1xi32>
      %mul3A_135 = arith.constant 16 : i32
      %mul3A_136 = arith.muli %scan3A_46, %mul3A_135 : i32
      %add3A_137 = arith.addi %mul3A_34, %mul3A_136 : i32
      %add3A_138 = arith.constant 5 : i32
      %add3A_139 = arith.addi %add3A_137, %add3A_138 : i32
      %dma_start3A_140 = arith.constant 0 : i32
      %dma_start3A_141 = tpu.memref_slice %arg6[%squeeze3A_134, %dma_start3A_140] : memref<20x1152xf32, #tpu.memory_space<vmem>> -> memref<1x1152xf32, #tpu.memory_space<vmem>>
      %dma_start3A_142 = tpu.memref_squeeze %dma_start3A_141 : memref<1x1152xf32, #tpu.memory_space<vmem>> -> memref<1152xf32, #tpu.memory_space<vmem>>
      %dma_start3A_143 = tpu.memref_slice %arg4[%add3A_139, %mul3A_32] : memref<2560x18432xf32, #tpu.memory_space<hbm>> -> memref<1x1152xf32, #tpu.memory_space<hbm>>
      %dma_start3A_144 = tpu.memref_squeeze %dma_start3A_143 : memref<1x1152xf32, #tpu.memory_space<hbm>> -> memref<1152xf32, #tpu.memory_space<hbm>>
      %dma_start3A_145 = tpu.memref_slice %arg4[%add3A_139, %mul3A_32] : memref<2560x18432xf32, #tpu.memory_space<hbm>> -> memref<1x1152xf32, #tpu.memory_space<hbm>>
      %dma_start3A_146 = tpu.memref_squeeze %dma_start3A_145 : memref<1x1152xf32, #tpu.memory_space<hbm>> -> memref<1152xf32, #tpu.memory_space<hbm>>
      %dma_start3A_147 = arith.constant 0 : i32
      %dma_start3A_148 = tpu.memref_slice %arg6[%squeeze3A_134, %dma_start3A_147] : memref<20x1152xf32, #tpu.memory_space<vmem>> -> memref<1x1152xf32, #tpu.memory_space<vmem>>
      %dma_start3A_149 = tpu.memref_squeeze %dma_start3A_148 : memref<1x1152xf32, #tpu.memory_space<vmem>> -> memref<1152xf32, #tpu.memory_space<vmem>>
      tpu.enqueue_dma source(%dma_start3A_149 : memref<1152xf32, #tpu.memory_space<vmem>>) target(%dma_start3A_146 : memref<1152xf32, #tpu.memory_space<hbm>>) target_semaphore(%arg7 : memref<!tpu.dma_semaphore, #tpu.memory_space<semaphore_mem>>)
      %slice3A_150 = vector.extract_strided_slice %get3A_50 {offsets = [6], sizes = [1], strides = [1]} : vector<16xi32> to vector<1xi32>
      %squeeze3A_151 = vector.extract %slice3A_150[0] : i32 from vector<1xi32>
      %mul3A_152 = arith.constant 16 : i32
      %mul3A_153 = arith.muli %scan3A_46, %mul3A_152 : i32
      %add3A_154 = arith.addi %mul3A_34, %mul3A_153 : i32
      %add3A_155 = arith.constant 6 : i32
      %add3A_156 = arith.addi %add3A_154, %add3A_155 : i32
      %dma_start3A_157 = arith.constant 0 : i32
      %dma_start3A_158 = tpu.memref_slice %arg6[%squeeze3A_151, %dma_start3A_157] : memref<20x1152xf32, #tpu.memory_space<vmem>> -> memref<1x1152xf32, #tpu.memory_space<vmem>>
      %dma_start3A_159 = tpu.memref_squeeze %dma_start3A_158 : memref<1x1152xf32, #tpu.memory_space<vmem>> -> memref<1152xf32, #tpu.memory_space<vmem>>
      %dma_start3A_160 = tpu.memref_slice %arg4[%add3A_156, %mul3A_32] : memref<2560x18432xf32, #tpu.memory_space<hbm>> -> memref<1x1152xf32, #tpu.memory_space<hbm>>
      %dma_start3A_161 = tpu.memref_squeeze %dma_start3A_160 : memref<1x1152xf32, #tpu.memory_space<hbm>> -> memref<1152xf32, #tpu.memory_space<hbm>>
      %dma_start3A_162 = tpu.memref_slice %arg4[%add3A_156, %mul3A_32] : memref<2560x18432xf32, #tpu.memory_space<hbm>> -> memref<1x1152xf32, #tpu.memory_space<hbm>>
      %dma_start3A_163 = tpu.memref_squeeze %dma_start3A_162 : memref<1x1152xf32, #tpu.memory_space<hbm>> -> memref<1152xf32, #tpu.memory_space<hbm>>
      %dma_start3A_164 = arith.constant 0 : i32
      %dma_start3A_165 = tpu.memref_slice %arg6[%squeeze3A_151, %dma_start3A_164] : memref<20x1152xf32, #tpu.memory_space<vmem>> -> memref<1x1152xf32, #tpu.memory_space<vmem>>
      %dma_start3A_166 = tpu.memref_squeeze %dma_start3A_165 : memref<1x1152xf32, #tpu.memory_space<vmem>> -> memref<1152xf32, #tpu.memory_space<vmem>>
      tpu.enqueue_dma source(%dma_start3A_166 : memref<1152xf32, #tpu.memory_space<vmem>>) target(%dma_start3A_163 : memref<1152xf32, #tpu.memory_space<hbm>>) target_semaphore(%arg7 : memref<!tpu.dma_semaphore, #tpu.memory_space<semaphore_mem>>)
      %slice3A_167 = vector.extract_strided_slice %get3A_50 {offsets = [7], sizes = [1], strides = [1]} : vector<16xi32> to vector<1xi32>
      %squeeze3A_168 = vector.extract %slice3A_167[0] : i32 from vector<1xi32>
      %mul3A_169 = arith.constant 16 : i32
      %mul3A_170 = arith.muli %scan3A_46, %mul3A_169 : i32
      %add3A_171 = arith.addi %mul3A_34, %mul3A_170 : i32
      %add3A_172 = arith.constant 7 : i32
      %add3A_173 = arith.addi %add3A_171, %add3A_172 : i32
      %dma_start3A_174 = arith.constant 0 : i32
      %dma_start3A_175 = tpu.memref_slice %arg6[%squeeze3A_168, %dma_start3A_174] : memref<20x1152xf32, #tpu.memory_space<vmem>> -> memref<1x1152xf32, #tpu.memory_space<vmem>>
      %dma_start3A_176 = tpu.memref_squeeze %dma_start3A_175 : memref<1x1152xf32, #tpu.memory_space<vmem>> -> memref<1152xf32, #tpu.memory_space<vmem>>
      %dma_start3A_177 = tpu.memref_slice %arg4[%add3A_173, %mul3A_32] : memref<2560x18432xf32, #tpu.memory_space<hbm>> -> memref<1x1152xf32, #tpu.memory_space<hbm>>
      %dma_start3A_178 = tpu.memref_squeeze %dma_start3A_177 : memref<1x1152xf32, #tpu.memory_space<hbm>> -> memref<1152xf32, #tpu.memory_space<hbm>>
      %dma_start3A_179 = tpu.memref_slice %arg4[%add3A_173, %mul3A_32] : memref<2560x18432xf32, #tpu.memory_space<hbm>> -> memref<1x1152xf32, #tpu.memory_space<hbm>>
      %dma_start3A_180 = tpu.memref_squeeze %dma_start3A_179 : memref<1x1152xf32, #tpu.memory_space<hbm>> -> memref<1152xf32, #tpu.memory_space<hbm>>
      %dma_start3A_181 = arith.constant 0 : i32
      %dma_start3A_182 = tpu.memref_slice %arg6[%squeeze3A_168, %dma_start3A_181] : memref<20x1152xf32, #tpu.memory_space<vmem>> -> memref<1x1152xf32, #tpu.memory_space<vmem>>
      %dma_start3A_183 = tpu.memref_squeeze %dma_start3A_182 : memref<1x1152xf32, #tpu.memory_space<vmem>> -> memref<1152xf32, #tpu.memory_space<vmem>>
      tpu.enqueue_dma source(%dma_start3A_183 : memref<1152xf32, #tpu.memory_space<vmem>>) target(%dma_start3A_180 : memref<1152xf32, #tpu.memory_space<hbm>>) target_semaphore(%arg7 : memref<!tpu.dma_semaphore, #tpu.memory_space<semaphore_mem>>)
      %slice3A_184 = vector.extract_strided_slice %get3A_50 {offsets = [8], sizes = [1], strides = [1]} : vector<16xi32> to vector<1xi32>
      %squeeze3A_185 = vector.extract %slice3A_184[0] : i32 from vector<1xi32>
      %mul3A_186 = arith.constant 16 : i32
      %mul3A_187 = arith.muli %scan3A_46, %mul3A_186 : i32
      %add3A_188 = arith.addi %mul3A_34, %mul3A_187 : i32
      %add3A_189 = arith.constant 8 : i32
      %add3A_190 = arith.addi %add3A_188, %add3A_189 : i32
      %dma_start3A_191 = arith.constant 0 : i32
      %dma_start3A_192 = tpu.memref_slice %arg6[%squeeze3A_185, %dma_start3A_191] : memref<20x1152xf32, #tpu.memory_space<vmem>> -> memref<1x1152xf32, #tpu.memory_space<vmem>>
      %dma_start3A_193 = tpu.memref_squeeze %dma_start3A_192 : memref<1x1152xf32, #tpu.memory_space<vmem>> -> memref<1152xf32, #tpu.memory_space<vmem>>
      %dma_start3A_194 = tpu.memref_slice %arg4[%add3A_190, %mul3A_32] : memref<2560x18432xf32, #tpu.memory_space<hbm>> -> memref<1x1152xf32, #tpu.memory_space<hbm>>
      %dma_start3A_195 = tpu.memref_squeeze %dma_start3A_194 : memref<1x1152xf32, #tpu.memory_space<hbm>> -> memref<1152xf32, #tpu.memory_space<hbm>>
      %dma_start3A_196 = tpu.memref_slice %arg4[%add3A_190, %mul3A_32] : memref<2560x18432xf32, #tpu.memory_space<hbm>> -> memref<1x1152xf32, #tpu.memory_space<hbm>>
      %dma_start3A_197 = tpu.memref_squeeze %dma_start3A_196 : memref<1x1152xf32, #tpu.memory_space<hbm>> -> memref<1152xf32, #tpu.memory_space<hbm>>
      %dma_start3A_198 = arith.constant 0 : i32
      %dma_start3A_199 = tpu.memref_slice %arg6[%squeeze3A_185, %dma_start3A_198] : memref<20x1152xf32, #tpu.memory_space<vmem>> -> memref<1x1152xf32, #tpu.memory_space<vmem>>
      %dma_start3A_200 = tpu.memref_squeeze %dma_start3A_199 : memref<1x1152xf32, #tpu.memory_space<vmem>> -> memref<1152xf32, #tpu.memory_space<vmem>>
      tpu.enqueue_dma source(%dma_start3A_200 : memref<1152xf32, #tpu.memory_space<vmem>>) target(%dma_start3A_197 : memref<1152xf32, #tpu.memory_space<hbm>>) target_semaphore(%arg7 : memref<!tpu.dma_semaphore, #tpu.memory_space<semaphore_mem>>)
      %slice3A_201 = vector.extract_strided_slice %get3A_50 {offsets = [9], sizes = [1], strides = [1]} : vector<16xi32> to vector<1xi32>
      %squeeze3A_202 = vector.extract %slice3A_201[0] : i32 from vector<1xi32>
      %mul3A_203 = arith.constant 16 : i32
      %mul3A_204 = arith.muli %scan3A_46, %mul3A_203 : i32
      %add3A_205 = arith.addi %mul3A_34, %mul3A_204 : i32
      %add3A_206 = arith.constant 9 : i32
      %add3A_207 = arith.addi %add3A_205, %add3A_206 : i32
      %dma_start3A_208 = arith.constant 0 : i32
      %dma_start3A_209 = tpu.memref_slice %arg6[%squeeze3A_202, %dma_start3A_208] : memref<20x1152xf32, #tpu.memory_space<vmem>> -> memref<1x1152xf32, #tpu.memory_space<vmem>>
      %dma_start3A_210 = tpu.memref_squeeze %dma_start3A_209 : memref<1x1152xf32, #tpu.memory_space<vmem>> -> memref<1152xf32, #tpu.memory_space<vmem>>
      %dma_start3A_211 = tpu.memref_slice %arg4[%add3A_207, %mul3A_32] : memref<2560x18432xf32, #tpu.memory_space<hbm>> -> memref<1x1152xf32, #tpu.memory_space<hbm>>
      %dma_start3A_212 = tpu.memref_squeeze %dma_start3A_211 : memref<1x1152xf32, #tpu.memory_space<hbm>> -> memref<1152xf32, #tpu.memory_space<hbm>>
      %dma_start3A_213 = tpu.memref_slice %arg4[%add3A_207, %mul3A_32] : memref<2560x18432xf32, #tpu.memory_space<hbm>> -> memref<1x1152xf32, #tpu.memory_space<hbm>>
      %dma_start3A_214 = tpu.memref_squeeze %dma_start3A_213 : memref<1x1152xf32, #tpu.memory_space<hbm>> -> memref<1152xf32, #tpu.memory_space<hbm>>
      %dma_start3A_215 = arith.constant 0 : i32
      %dma_start3A_216 = tpu.memref_slice %arg6[%squeeze3A_202, %dma_start3A_215] : memref<20x1152xf32, #tpu.memory_space<vmem>> -> memref<1x1152xf32, #tpu.memory_space<vmem>>
      %dma_start3A_217 = tpu.memref_squeeze %dma_start3A_216 : memref<1x1152xf32, #tpu.memory_space<vmem>> -> memref<1152xf32, #tpu.memory_space<vmem>>
      tpu.enqueue_dma source(%dma_start3A_217 : memref<1152xf32, #tpu.memory_space<vmem>>) target(%dma_start3A_214 : memref<1152xf32, #tpu.memory_space<hbm>>) target_semaphore(%arg7 : memref<!tpu.dma_semaphore, #tpu.memory_space<semaphore_mem>>)
      %slice3A_218 = vector.extract_strided_slice %get3A_50 {offsets = [10], sizes = [1], strides = [1]} : vector<16xi32> to vector<1xi32>
      %squeeze3A_219 = vector.extract %slice3A_218[0] : i32 from vector<1xi32>
      %mul3A_220 = arith.constant 16 : i32
      %mul3A_221 = arith.muli %scan3A_46, %mul3A_220 : i32
      %add3A_222 = arith.addi %mul3A_34, %mul3A_221 : i32
      %add3A_223 = arith.constant 10 : i32
      %add3A_224 = arith.addi %add3A_222, %add3A_223 : i32
      %dma_start3A_225 = arith.constant 0 : i32
      %dma_start3A_226 = tpu.memref_slice %arg6[%squeeze3A_219, %dma_start3A_225] : memref<20x1152xf32, #tpu.memory_space<vmem>> -> memref<1x1152xf32, #tpu.memory_space<vmem>>
      %dma_start3A_227 = tpu.memref_squeeze %dma_start3A_226 : memref<1x1152xf32, #tpu.memory_space<vmem>> -> memref<1152xf32, #tpu.memory_space<vmem>>
      %dma_start3A_228 = tpu.memref_slice %arg4[%add3A_224, %mul3A_32] : memref<2560x18432xf32, #tpu.memory_space<hbm>> -> memref<1x1152xf32, #tpu.memory_space<hbm>>
      %dma_start3A_229 = tpu.memref_squeeze %dma_start3A_228 : memref<1x1152xf32, #tpu.memory_space<hbm>> -> memref<1152xf32, #tpu.memory_space<hbm>>
      %dma_start3A_230 = tpu.memref_slice %arg4[%add3A_224, %mul3A_32] : memref<2560x18432xf32, #tpu.memory_space<hbm>> -> memref<1x1152xf32, #tpu.memory_space<hbm>>
      %dma_start3A_231 = tpu.memref_squeeze %dma_start3A_230 : memref<1x1152xf32, #tpu.memory_space<hbm>> -> memref<1152xf32, #tpu.memory_space<hbm>>
      %dma_start3A_232 = arith.constant 0 : i32
      %dma_start3A_233 = tpu.memref_slice %arg6[%squeeze3A_219, %dma_start3A_232] : memref<20x1152xf32, #tpu.memory_space<vmem>> -> memref<1x1152xf32, #tpu.memory_space<vmem>>
      %dma_start3A_234 = tpu.memref_squeeze %dma_start3A_233 : memref<1x1152xf32, #tpu.memory_space<vmem>> -> memref<1152xf32, #tpu.memory_space<vmem>>
      tpu.enqueue_dma source(%dma_start3A_234 : memref<1152xf32, #tpu.memory_space<vmem>>) target(%dma_start3A_231 : memref<1152xf32, #tpu.memory_space<hbm>>) target_semaphore(%arg7 : memref<!tpu.dma_semaphore, #tpu.memory_space<semaphore_mem>>)
      %slice3A_235 = vector.extract_strided_slice %get3A_50 {offsets = [11], sizes = [1], strides = [1]} : vector<16xi32> to vector<1xi32>
      %squeeze3A_236 = vector.extract %slice3A_235[0] : i32 from vector<1xi32>
      %mul3A_237 = arith.constant 16 : i32
      %mul3A_238 = arith.muli %scan3A_46, %mul3A_237 : i32
      %add3A_239 = arith.addi %mul3A_34, %mul3A_238 : i32
      %add3A_240 = arith.constant 11 : i32
      %add3A_241 = arith.addi %add3A_239, %add3A_240 : i32
      %dma_start3A_242 = arith.constant 0 : i32
      %dma_start3A_243 = tpu.memref_slice %arg6[%squeeze3A_236, %dma_start3A_242] : memref<20x1152xf32, #tpu.memory_space<vmem>> -> memref<1x1152xf32, #tpu.memory_space<vmem>>
      %dma_start3A_244 = tpu.memref_squeeze %dma_start3A_243 : memref<1x1152xf32, #tpu.memory_space<vmem>> -> memref<1152xf32, #tpu.memory_space<vmem>>
      %dma_start3A_245 = tpu.memref_slice %arg4[%add3A_241, %mul3A_32] : memref<2560x18432xf32, #tpu.memory_space<hbm>> -> memref<1x1152xf32, #tpu.memory_space<hbm>>
      %dma_start3A_246 = tpu.memref_squeeze %dma_start3A_245 : memref<1x1152xf32, #tpu.memory_space<hbm>> -> memref<1152xf32, #tpu.memory_space<hbm>>
      %dma_start3A_247 = tpu.memref_slice %arg4[%add3A_241, %mul3A_32] : memref<2560x18432xf32, #tpu.memory_space<hbm>> -> memref<1x1152xf32, #tpu.memory_space<hbm>>
      %dma_start3A_248 = tpu.memref_squeeze %dma_start3A_247 : memref<1x1152xf32, #tpu.memory_space<hbm>> -> memref<1152xf32, #tpu.memory_space<hbm>>
      %dma_start3A_249 = arith.constant 0 : i32
      %dma_start3A_250 = tpu.memref_slice %arg6[%squeeze3A_236, %dma_start3A_249] : memref<20x1152xf32, #tpu.memory_space<vmem>> -> memref<1x1152xf32, #tpu.memory_space<vmem>>
      %dma_start3A_251 = tpu.memref_squeeze %dma_start3A_250 : memref<1x1152xf32, #tpu.memory_space<vmem>> -> memref<1152xf32, #tpu.memory_space<vmem>>
      tpu.enqueue_dma source(%dma_start3A_251 : memref<1152xf32, #tpu.memory_space<vmem>>) target(%dma_start3A_248 : memref<1152xf32, #tpu.memory_space<hbm>>) target_semaphore(%arg7 : memref<!tpu.dma_semaphore, #tpu.memory_space<semaphore_mem>>)
      %slice3A_252 = vector.extract_strided_slice %get3A_50 {offsets = [12], sizes = [1], strides = [1]} : vector<16xi32> to vector<1xi32>
      %squeeze3A_253 = vector.extract %slice3A_252[0] : i32 from vector<1xi32>
      %mul3A_254 = arith.constant 16 : i32
      %mul3A_255 = arith.muli %scan3A_46, %mul3A_254 : i32
      %add3A_256 = arith.addi %mul3A_34, %mul3A_255 : i32
      %add3A_257 = arith.constant 12 : i32
      %add3A_258 = arith.addi %add3A_256, %add3A_257 : i32
      %dma_start3A_259 = arith.constant 0 : i32
      %dma_start3A_260 = tpu.memref_slice %arg6[%squeeze3A_253, %dma_start3A_259] : memref<20x1152xf32, #tpu.memory_space<vmem>> -> memref<1x1152xf32, #tpu.memory_space<vmem>>
      %dma_start3A_261 = tpu.memref_squeeze %dma_start3A_260 : memref<1x1152xf32, #tpu.memory_space<vmem>> -> memref<1152xf32, #tpu.memory_space<vmem>>
      %dma_start3A_262 = tpu.memref_slice %arg4[%add3A_258, %mul3A_32] : memref<2560x18432xf32, #tpu.memory_space<hbm>> -> memref<1x1152xf32, #tpu.memory_space<hbm>>
      %dma_start3A_263 = tpu.memref_squeeze %dma_start3A_262 : memref<1x1152xf32, #tpu.memory_space<hbm>> -> memref<1152xf32, #tpu.memory_space<hbm>>
      %dma_start3A_264 = tpu.memref_slice %arg4[%add3A_258, %mul3A_32] : memref<2560x18432xf32, #tpu.memory_space<hbm>> -> memref<1x1152xf32, #tpu.memory_space<hbm>>
      %dma_start3A_265 = tpu.memref_squeeze %dma_start3A_264 : memref<1x1152xf32, #tpu.memory_space<hbm>> -> memref<1152xf32, #tpu.memory_space<hbm>>
      %dma_start3A_266 = arith.constant 0 : i32
      %dma_start3A_267 = tpu.memref_slice %arg6[%squeeze3A_253, %dma_start3A_266] : memref<20x1152xf32, #tpu.memory_space<vmem>> -> memref<1x1152xf32, #tpu.memory_space<vmem>>
      %dma_start3A_268 = tpu.memref_squeeze %dma_start3A_267 : memref<1x1152xf32, #tpu.memory_space<vmem>> -> memref<1152xf32, #tpu.memory_space<vmem>>
      tpu.enqueue_dma source(%dma_start3A_268 : memref<1152xf32, #tpu.memory_space<vmem>>) target(%dma_start3A_265 : memref<1152xf32, #tpu.memory_space<hbm>>) target_semaphore(%arg7 : memref<!tpu.dma_semaphore, #tpu.memory_space<semaphore_mem>>)
      %slice3A_269 = vector.extract_strided_slice %get3A_50 {offsets = [13], sizes = [1], strides = [1]} : vector<16xi32> to vector<1xi32>
      %squeeze3A_270 = vector.extract %slice3A_269[0] : i32 from vector<1xi32>
      %mul3A_271 = arith.constant 16 : i32
      %mul3A_272 = arith.muli %scan3A_46, %mul3A_271 : i32
      %add3A_273 = arith.addi %mul3A_34, %mul3A_272 : i32
      %add3A_274 = arith.constant 13 : i32
      %add3A_275 = arith.addi %add3A_273, %add3A_274 : i32
      %dma_start3A_276 = arith.constant 0 : i32
      %dma_start3A_277 = tpu.memref_slice %arg6[%squeeze3A_270, %dma_start3A_276] : memref<20x1152xf32, #tpu.memory_space<vmem>> -> memref<1x1152xf32, #tpu.memory_space<vmem>>
      %dma_start3A_278 = tpu.memref_squeeze %dma_start3A_277 : memref<1x1152xf32, #tpu.memory_space<vmem>> -> memref<1152xf32, #tpu.memory_space<vmem>>
      %dma_start3A_279 = tpu.memref_slice %arg4[%add3A_275, %mul3A_32] : memref<2560x18432xf32, #tpu.memory_space<hbm>> -> memref<1x1152xf32, #tpu.memory_space<hbm>>
      %dma_start3A_280 = tpu.memref_squeeze %dma_start3A_279 : memref<1x1152xf32, #tpu.memory_space<hbm>> -> memref<1152xf32, #tpu.memory_space<hbm>>
      %dma_start3A_281 = tpu.memref_slice %arg4[%add3A_275, %mul3A_32] : memref<2560x18432xf32, #tpu.memory_space<hbm>> -> memref<1x1152xf32, #tpu.memory_space<hbm>>
      %dma_start3A_282 = tpu.memref_squeeze %dma_start3A_281 : memref<1x1152xf32, #tpu.memory_space<hbm>> -> memref<1152xf32, #tpu.memory_space<hbm>>
      %dma_start3A_283 = arith.constant 0 : i32
      %dma_start3A_284 = tpu.memref_slice %arg6[%squeeze3A_270, %dma_start3A_283] : memref<20x1152xf32, #tpu.memory_space<vmem>> -> memref<1x1152xf32, #tpu.memory_space<vmem>>
      %dma_start3A_285 = tpu.memref_squeeze %dma_start3A_284 : memref<1x1152xf32, #tpu.memory_space<vmem>> -> memref<1152xf32, #tpu.memory_space<vmem>>
      tpu.enqueue_dma source(%dma_start3A_285 : memref<1152xf32, #tpu.memory_space<vmem>>) target(%dma_start3A_282 : memref<1152xf32, #tpu.memory_space<hbm>>) target_semaphore(%arg7 : memref<!tpu.dma_semaphore, #tpu.memory_space<semaphore_mem>>)
      %slice3A_286 = vector.extract_strided_slice %get3A_50 {offsets = [14], sizes = [1], strides = [1]} : vector<16xi32> to vector<1xi32>
      %squeeze3A_287 = vector.extract %slice3A_286[0] : i32 from vector<1xi32>
      %mul3A_288 = arith.constant 16 : i32
      %mul3A_289 = arith.muli %scan3A_46, %mul3A_288 : i32
      %add3A_290 = arith.addi %mul3A_34, %mul3A_289 : i32
      %add3A_291 = arith.constant 14 : i32
      %add3A_292 = arith.addi %add3A_290, %add3A_291 : i32
      %dma_start3A_293 = arith.constant 0 : i32
      %dma_start3A_294 = tpu.memref_slice %arg6[%squeeze3A_287, %dma_start3A_293] : memref<20x1152xf32, #tpu.memory_space<vmem>> -> memref<1x1152xf32, #tpu.memory_space<vmem>>
      %dma_start3A_295 = tpu.memref_squeeze %dma_start3A_294 : memref<1x1152xf32, #tpu.memory_space<vmem>> -> memref<1152xf32, #tpu.memory_space<vmem>>
      %dma_start3A_296 = tpu.memref_slice %arg4[%add3A_292, %mul3A_32] : memref<2560x18432xf32, #tpu.memory_space<hbm>> -> memref<1x1152xf32, #tpu.memory_space<hbm>>
      %dma_start3A_297 = tpu.memref_squeeze %dma_start3A_296 : memref<1x1152xf32, #tpu.memory_space<hbm>> -> memref<1152xf32, #tpu.memory_space<hbm>>
      %dma_start3A_298 = tpu.memref_slice %arg4[%add3A_292, %mul3A_32] : memref<2560x18432xf32, #tpu.memory_space<hbm>> -> memref<1x1152xf32, #tpu.memory_space<hbm>>
      %dma_start3A_299 = tpu.memref_squeeze %dma_start3A_298 : memref<1x1152xf32, #tpu.memory_space<hbm>> -> memref<1152xf32, #tpu.memory_space<hbm>>
      %dma_start3A_300 = arith.constant 0 : i32
      %dma_start3A_301 = tpu.memref_slice %arg6[%squeeze3A_287, %dma_start3A_300] : memref<20x1152xf32, #tpu.memory_space<vmem>> -> memref<1x1152xf32, #tpu.memory_space<vmem>>
      %dma_start3A_302 = tpu.memref_squeeze %dma_start3A_301 : memref<1x1152xf32, #tpu.memory_space<vmem>> -> memref<1152xf32, #tpu.memory_space<vmem>>
      tpu.enqueue_dma source(%dma_start3A_302 : memref<1152xf32, #tpu.memory_space<vmem>>) target(%dma_start3A_299 : memref<1152xf32, #tpu.memory_space<hbm>>) target_semaphore(%arg7 : memref<!tpu.dma_semaphore, #tpu.memory_space<semaphore_mem>>)
      %slice3A_303 = vector.extract_strided_slice %get3A_50 {offsets = [15], sizes = [1], strides = [1]} : vector<16xi32> to vector<1xi32>
      %squeeze3A_304 = vector.extract %slice3A_303[0] : i32 from vector<1xi32>
      %mul3A_305 = arith.constant 16 : i32
      %mul3A_306 = arith.muli %scan3A_46, %mul3A_305 : i32
      %add3A_307 = arith.addi %mul3A_34, %mul3A_306 : i32
      %add3A_308 = arith.constant 15 : i32
      %add3A_309 = arith.addi %add3A_307, %add3A_308 : i32
      %dma_start3A_310 = arith.constant 0 : i32
      %dma_start3A_311 = tpu.memref_slice %arg6[%squeeze3A_304, %dma_start3A_310] : memref<20x1152xf32, #tpu.memory_space<vmem>> -> memref<1x1152xf32, #tpu.memory_space<vmem>>
      %dma_start3A_312 = tpu.memref_squeeze %dma_start3A_311 : memref<1x1152xf32, #tpu.memory_space<vmem>> -> memref<1152xf32, #tpu.memory_space<vmem>>
      %dma_start3A_313 = tpu.memref_slice %arg4[%add3A_309, %mul3A_32] : memref<2560x18432xf32, #tpu.memory_space<hbm>> -> memref<1x1152xf32, #tpu.memory_space<hbm>>
      %dma_start3A_314 = tpu.memref_squeeze %dma_start3A_313 : memref<1x1152xf32, #tpu.memory_space<hbm>> -> memref<1152xf32, #tpu.memory_space<hbm>>
      %dma_start3A_315 = tpu.memref_slice %arg4[%add3A_309, %mul3A_32] : memref<2560x18432xf32, #tpu.memory_space<hbm>> -> memref<1x1152xf32, #tpu.memory_space<hbm>>
      %dma_start3A_316 = tpu.memref_squeeze %dma_start3A_315 : memref<1x1152xf32, #tpu.memory_space<hbm>> -> memref<1152xf32, #tpu.memory_space<hbm>>
      %dma_start3A_317 = arith.constant 0 : i32
      %dma_start3A_318 = tpu.memref_slice %arg6[%squeeze3A_304, %dma_start3A_317] : memref<20x1152xf32, #tpu.memory_space<vmem>> -> memref<1x1152xf32, #tpu.memory_space<vmem>>
      %dma_start3A_319 = tpu.memref_squeeze %dma_start3A_318 : memref<1x1152xf32, #tpu.memory_space<vmem>> -> memref<1152xf32, #tpu.memory_space<vmem>>
      tpu.enqueue_dma source(%dma_start3A_319 : memref<1152xf32, #tpu.memory_space<vmem>>) target(%dma_start3A_316 : memref<1152xf32, #tpu.memory_space<hbm>>) target_semaphore(%arg7 : memref<!tpu.dma_semaphore, #tpu.memory_space<semaphore_mem>>)
    }
    %scan3A_39 = arith.constant 80 : i32
    %scan3A_40 = arith.constant 0 : i32
    %scan3A_41 = arith.constant 0 : i32
    %scan3A_42 = arith.constant 1280 : i32
    %scan3A_43 = arith.addi %scan3A_41, %scan3A_42 : i32
    %scan3A_44 = arith.constant 1 : i32
    scf.for %scan3A_46 = %scan3A_41 to %scan3A_43 step %scan3A_44  : i32 {
      %add3A_47 = arith.addi %mul3A_34, %scan3A_46 : i32
      %dma_wait3A = arith.constant 0 : i32
      %dma_wait3A_48 = arith.constant 0 : i32
      %dma_wait3A_49 = tpu.memref_slice %arg6[%dma_wait3A, %dma_wait3A_48] : memref<20x1152xf32, #tpu.memory_space<vmem>> -> memref<1x1152xf32, #tpu.memory_space<vmem>>
      %dma_wait3A_50 = tpu.memref_squeeze %dma_wait3A_49 : memref<1x1152xf32, #tpu.memory_space<vmem>> -> memref<1152xf32, #tpu.memory_space<vmem>>
      %dma_wait3A_51 = tpu.memref_slice %arg4[%add3A_47, %mul3A_32] : memref<2560x18432xf32, #tpu.memory_space<hbm>> -> memref<1x1152xf32, #tpu.memory_space<hbm>>
      %dma_wait3A_52 = tpu.memref_squeeze %dma_wait3A_51 : memref<1x1152xf32, #tpu.memory_space<hbm>> -> memref<1152xf32, #tpu.memory_space<hbm>>
      %dma_wait3A_53 = tpu.memref_slice %arg4[%add3A_47, %mul3A_32] : memref<2560x18432xf32, #tpu.memory_space<hbm>> -> memref<1x1152xf32, #tpu.memory_space<hbm>>
      %dma_wait3A_54 = tpu.memref_squeeze %dma_wait3A_53 : memref<1x1152xf32, #tpu.memory_space<hbm>> -> memref<1152xf32, #tpu.memory_space<hbm>>
      %dma_wait3A_55 = arith.constant 0 : i32
      %dma_wait3A_56 = tpu.memref_slice %arg6[%dma_wait3A, %dma_wait3A_55] : memref<20x1152xf32, #tpu.memory_space<vmem>> -> memref<1x1152xf32, #tpu.memory_space<vmem>>
      %dma_wait3A_57 = tpu.memref_squeeze %dma_wait3A_56 : memref<1x1152xf32, #tpu.memory_space<vmem>> -> memref<1152xf32, #tpu.memory_space<vmem>>
      tpu.wait_dma2 semaphore(%arg7 : memref<!tpu.dma_semaphore, #tpu.memory_space<semaphore_mem>>) src(%dma_wait3A_57 : memref<1152xf32, #tpu.memory_space<vmem>>) dst(%dma_wait3A_54 : memref<1152xf32, #tpu.memory_space<hbm>>)
    }
    %scan3A_45 = arith.constant 1280 : i32
    return
  }
}

</mosaic_0001>

<sc_bundles>
// kernel: kernel.3.cloned.1.call-start
scs
__scs_entry_jumppad:
0x0: {  	(pc) =	sbr.rel $0x88, $3  }
0x1: {  	(tag) =	ssettag $0x0;
	lr =	simm.s32 $0x1  }
0x2: {  	[smem:$0x3F9F] =	sst lr;
	_ =	strace $0xD0000000  }
0x3: {  	_ = 	snop  }
0x4: {  	_ = 	snop  }
0x5: {  	_ = 	snop  }
0x6: {  	_ = 	snop  }
0x7: {  	_ = 	snop  }
__scs_overlays_trampoline_lowered:
0x8: {  	[smem:$0x3FAE] =	sst s0  }
0x9: {  	[smem:$0x3FAF] =	sst s1  }
0xa: {  	[smem:$0x3FB0] =	sst s2  }
0xb: {  	[smem:$0x3FB1] =	sst s3  }
0xc: {  	[smem:$0x3FB2] =	sst s4  }
0xd: {  	[smem:$0x3FB3] =	sst s5  }
0xe: {  	[smem:$0x3FB4] =	sst s6  }
0xf: {  	[smem:$0x3FB5] =	sst s7  }
0x10: {  	[smem:$0x3FB6] =	sst s8  }
0x11: {  	[smem:$0x3FB7] =	sst s9;
	s0 =	simm.s32 @!p0 $0x0  }
0x12: {  	s1 =	sld [smem:$0x3F9D];
	s0 =	simm.s32 @p0 $0x1  }
0x13: {  	[smem:$0x3FB8] =	sst s0;
	s0 =	simm.s32 @!p1 $0x0  }
0x14: {  	s2 =	sld [smem:$0x3F9C];
	s0 =	simm.s32 @p1 $0x1  }
0x15: {  	[smem:$0x3FB9] =	sst s0;
	s0 =	simm.s32 @!p2 $0x0  }
0x16: {  	s3 =	sld [smem:$0x3FDB];
	s0 =	simm.s32 @p2 $0x1  }
0x17: {  	s4 =	simm.s32 $0x1BF5;
	[smem:$0x3FBB] =	sst s0  }
0x18: {  	s0 =	sld [smem:$0x3F9E];
	_ =	swait.ge [sflag:s4], $0x0  }
0x19: {  	s7 =	sld [smem:$0x3F9F]  }
0x1a: {  	s8 =	sadd.s32 $0xFFFFE003, lr  }
0x1b: {  	s9 =	sadd.s32 $0xFFFFFEF7, lr;
	s5 =	simm.s32 $0xFFFFFFFF;
	p2 =	slt.u32 s8, $0xFFFFF086  }
0x1c: {  	p1 =	slt.u32 s9, $0xF7A;
	s5 =	simm.s32 @!p2 $0x0  }
0x1d: {  	s5 =	simm.s32 @p1 $0x1;
	p0 =	seq.s32 s7, s2  }
0x1e: {  	s7 =	smul.u32 @!p0 $0xF7A, s2;
	p2 =	seq.s32 @!p0 s5, $0x0  }
0x1f: {  	s9 =	smul.u32 $0xF7A, s1;
	s8 =	simm.s32 @!p0 $0x1BF5;
	p2 =	por !p2, p0  }
0x20: {  	[sflag:s8] =	ssyncset.s32 @!p0 $0xFFFFF086;
	s6 =	sadd.s32 @!p0 s3, s7;
	s7 =	simm.s32 @!p0 $0x108  }
0x21: {  	s3 =	sadd.s32 s3, s9;
	s6 =	sadd.s32 @!p0 $0x88, s6;
	s7 =	simm.s32 @p2 $0x1082  }
0x22: {  	[simem:s7], [sflag:s8] =	dma.local @!p0 [hbm:s6], $0xF7A  }
0x23: {  	s9 =	sor.u32 $0xD0000000, s2;
	s6 =	simm.s32 $0x108;
	_ =	swait.ge @!p0 [sflag:s8], $0x0  }
0x24: {  	s3 =	sadd.s32 $0x88, s3;
	s6 =	simm.s32 @!p1 $0x1082;
	[sflag:s4] =	ssyncset.s32 $0xFFFFF086  }
0x25: {  	[simem:s6], [sflag:s4] =	dma.local [hbm:s3], $0xF7A  }
0x26: {  	[smem:$0x3F9F] =	sst s1;
	(tag) =	ssettag s2;
	_ =	strace s9  }
0x27: {  	s1 =	sld [smem:$0x3FAF]  }
0x28: {  	s2 =	sld [smem:$0x3FB0]  }
0x29: {  	s4 =	sld [smem:$0x3FB2]  }
0x2a: {  	p0 =	seq.s32 s5, $0x0;
	s5 =	sld [smem:$0x3FB3]  }
0x2b: {  	s6 =	sld [smem:$0x3FB4]  }
0x2c: {  	s7 =	sld [smem:$0x3FB5]  }
0x2d: {  	s3 =	simm.s32 $0x108;
	s8 =	sld [smem:$0x3FB6]  }
0x2e: {  	s3 =	simm.s32 @!p0 $0x1082;
	s9 =	sld [smem:$0x3FB7]  }
0x2f: {  	lr =	sadd.s32 s0, s3;
	s0 =	sld [smem:$0x3FAE]  }
0x30: {  	s3 =	sld [smem:$0x3FB1]  }
0x31: {  	[smem:$0x3FBA] =	sst s10  }
0x32: {  	s10 =	sld [smem:$0x3FB8];
	_ =	sdelay $0x3  }
0x33: {  	p0 =	seq.s32 s10, $0x1;
	s10 =	sld [smem:$0x3FBA];
	_ =	sdelay $0x3  }
0x34: {  	[smem:$0x3FBA] =	sst s10  }
0x35: {  	s10 =	sld [smem:$0x3FB9];
	_ =	sdelay $0x3  }
0x36: {  	p1 =	seq.s32 s10, $0x1;
	s10 =	sld [smem:$0x3FBA];
	_ =	sdelay $0x3  }
0x37: {  	[smem:$0x3FBA] =	sst s10  }
0x38: {  	s10 =	sld [smem:$0x3FBB]  }
0x39: {  	_ = 	snop;
	(pc) =	sbr.ind lr, $3  }
0x3a: {  	_ = 	snop  }
0x3b: {  	_ = 	snop  }
0x3c: {  	p2 =	seq.s32 s10, $0x1;
	s10 =	sld [smem:$0x3FBA]  }
0x3d: {  	_ =	shalt  }
0x3e: {  	_ =	shalt  }
0x3f: {  	_ =	shalt  }
0x40: {  	_ =	shalt  }
0x41: {  	_ =	shalt  }
0x42: {  	_ =	shalt  }
0x43: {  	_ =	shalt  }
0x44: {  	_ =	shalt  }
0x45: {  	_ =	shalt  }
0x46: {  	_ =	shalt  }
0x47: {  	_ =	shalt  }
0x48: {  	_ =	shalt  }
0x49: {  	_ =	shalt  }
0x4a: {  	_ =	shalt  }
0x4b: {  	_ =	shalt  }
0x4c: {  	_ =	shalt  }
0x4d: {  	_ =	shalt  }
0x4e: {  	_ =	shalt  }
0x4f: {  	_ =	shalt  }
0x50: {  	_ =	shalt  }
0x51: {  	_ =	shalt  }
0x52: {  	_ =	shalt  }
0x53: {  	_ =	shalt  }
0x54: {  	_ =	shalt  }
0x55: {  	_ =	shalt  }
0x56: {  	_ =	shalt  }
0x57: {  	_ =	shalt  }
0x58: {  	_ =	shalt  }
0x59: {  	_ =	shalt  }
0x5a: {  	_ =	shalt  }
0x5b: {  	_ =	shalt  }
0x5c: {  	_ =	shalt  }
0x5d: {  	_ =	shalt  }
0x5e: {  	_ =	shalt  }
0x5f: {  	_ =	shalt  }
0x60: {  	_ =	shalt  }
0x61: {  	_ =	shalt  }
0x62: {  	_ =	shalt  }
0x63: {  	_ =	shalt  }
0x64: {  	_ =	shalt  }
0x65: {  	_ =	shalt  }
0x66: {  	_ =	shalt  }
0x67: {  	_ =	shalt  }
0x68: {  	_ =	shalt  }
0x69: {  	_ =	shalt  }
0x6a: {  	_ =	shalt  }
0x6b: {  	_ =	shalt  }
0x6c: {  	_ =	shalt  }
0x6d: {  	_ =	shalt  }
0x6e: {  	_ =	shalt  }
0x6f: {  	_ =	shalt  }
0x70: {  	_ =	shalt  }
0x71: {  	_ =	shalt  }
0x72: {  	_ =	shalt  }
0x73: {  	_ =	shalt  }
0x74: {  	_ =	shalt  }
0x75: {  	_ =	shalt  }
0x76: {  	_ =	shalt  }
0x77: {  	_ =	shalt  }
0x78: {  	_ =	shalt  }
0x79: {  	_ =	shalt  }
0x7a: {  	_ =	shalt  }
0x7b: {  	_ =	shalt  }
0x7c: {  	_ =	shalt  }
0x7d: {  	_ =	shalt  }
0x7e: {  	_ =	shalt  }
0x7f: {  	_ =	shalt  }
0x80: {  	_ =	shalt  }
0x81: {  	_ =	shalt  }
0x82: {  	_ =	shalt  }
0x83: {  	_ =	shalt  }
0x84: {  	_ =	shalt  }
0x85: {  	_ =	shalt  }
0x86: {  	_ =	shalt  }
0x87: {  	_ =	shalt  }
.Lfunc_end0:
.L_simem_size_0:
called_computation_lowered:
.L_overlay_start_0:
0x88: {  	s2 =	sld [smem:$0x3FD9]  }
0x89: {  	s3 =	sld [smem:$0x3FFE];
	_ =	sdelay $0x1  }
0x8a: {  	s1 =	srdreg.scid  }
0x8b: {  	s0 =	sand.u32 $0x1, s1  }
0x8c: {  	s17 =	sshll.u32 s0, $0xA;
	s2 =	sadd.s32 s3, s2  }
0x8d: {  	s2 =	sadd.s32 s2, s17  }
0x8e: {  	[smem:$0x3FC6] =	sst s2  }
0x8f: {  	_ = 	snop  }
0x90: {  	s2 =	sld [smem:$0x3FC8]  }
0x91: {  	s18 =	sld [smem:$0x3FD0];
	(tm) =	ssettm $0x1  }
0x92: {  	s4 =	sld [smem:$0x3FFB];
	_ =	sdelay $0x3  }
0x93: {  	_ =	strace s4  }
0x94: {  	s4 =	sld [smem:$0x3FFC];
	_ =	sdelay $0x3  }
0x95: {  	_ =	strace s4  }
0x96: {  	s4 =	sld [smem:$0x3FFD];
	_ =	sdelay $0x3  }
0x97: {  	_ =	strace s4  }
0x98: {  	_ =	strace $0x8FFFFFFF  }
0x99: {  	s19 =	sld [smem:$0x3FDB];
	_ =	sdelay $0x1  }
0x9a: {  	s5 =	simm.s32 $_scs_section_size  }
0x9b: {  	s6 =	simm.s32 $_size__tile_overlayer_lowered;
	s7 =	simm.s32 $_tile_overlayer_lowered  }
0x9c: {  	s22 =	simm.s32 $0x1BFF;
	s21 =	sshll.u32 s7, $0x1;
	s4 =	sadd.s32 s5, s19  }
0x9d: {  	s8 =	simm.s32 $0x0;
	s20 =	sshll.u32 s6, $0x1;
	s6 =	sadd.s32 s21, s4  }
0x9e: {  	[timem:s8], [sflag:s22] =	dma.local [hbm:s6], s20  }
0x9f: {  	_ =	swait.ge [sflag:s22], s20  }
0xa0: {  	s5 =	ssub.s32 $0x0, s20;
	[sflag:s22] =	ssyncset.done $0x0  }
0xa1: {  	[sflag:s22] =	ssyncadd.s32 s5;
	_ =	sdelay $0x1  }
0xa2: {  	s23 =	simm.s32 $0x1B8B  }
0xa3: {  	_ =	swait.ge [sflag:s23], $0x1  }
0xa4: {  	[sflag:s23] =	ssyncset.done $0x0  }
0xa5: {  	s25 =	simm.s32 $0x1B8E;
	s24 =	sld [smem:$0x3FFE];
	[sflag:s23] =	ssyncadd.s32 $0xFFFFFFFF  }
0xa6: {  	s26 =	simm.s32 $execute0_lowered;
	[smem:$0x3FD2] =	sst s25  }
0xa7: {  	s6 =	sshll.u32 s26, $0x1;
	_ =	strace $0x80000046;
	[dreg:$0x1] =	wrdreg $0xFFFFFFFF  }
0xa8: {  	s28 =	simm.s32 $_size_execute0_lowered;
	s4 =	sadd.s32 s4, s6;
	[dreg:$0x0] =	wrdreg $0x0  }
0xa9: {  	s6 =	sshll.u32 s28, $0x1;
	[dreg:$0x2] =	wrdreg s4  }
0xaa: {  	[dreg:$0x3] =	wrdreg s6  }
0xab: {  	[dreg:$0x4] =	wrdreg $0xC0  }
0xac: {  	_ =	task [dreg:s8], $0x5FFFF  }
0xad: {  	[dreg:$0x1] =	wrdreg $0xFFFFFFFF  }
0xae: {  	[dreg:$0x0] =	wrdreg $0x60  }
0xaf: {  	[dreg:$0x2] =	wrdreg s24  }
0xb0: {  	[dreg:$0x3] =	wrdreg s2  }
0xb1: {  	[dreg:$0x4] =	wrdreg s18  }
0xb2: {  	[dreg:$0x5] =	wrdreg $0x9  }
0xb3: {  	_ =	task.clear_ibuf [dreg:s8], $0x6FFFF;
	_ =	strace $0x90000046  }
0xb4: {  	s29 =	simm.s32 $0x9;
	_ =	strace $0x80000048  }
0xb5: {  	_ =	swait.ge [sflag:s29], $0x1  }
0xb6: {  	[sflag:s29] =	ssyncadd.s32 $0xFFFFFFFF  }
0xb7: {  	_ =	strace $0x90000048  }
0xb8: {  	_ =	sfence  }
0xb9: {  	s30 =	sld [smem:$0x0];
	_ =	sdelay $0x2  }
0xba: {  	s31 =	sshll.u32 s1, $0xD;
	s1 =	sshrl.u32 s1, $0x2  }
0xbb: {  	s3 =	sand.u32 $0x4000, s31;
	s1 =	sadd.s32 s1, s30  }
0xbc: {  	s0 =	sor.u32 s3, s0;
	s1 =	sshll.u32 s1, $0x11  }
0xbd: {  	s0 =	sor.u32 s1, s0  }
0xbe: {  	s0 =	sadd.s32 $0x8F2B, s0  }
0xbf: {  	[sflag:s0] =	ssyncadd.remote.s32 $0x1  }
0xc0: {  	_ =	sfence.sel $0xFFFF  }
0xc1: {  	[dreg:$0x0] =	wrdreg $0xFFFFFFFF;
	(pc) =	sbr.abs _section_cstart, $3  }
0xc2: {  	[dreg:$0x1] =	wrdreg $0xFFFFFFFF  }
0xc3: {  	_ =	task.clear_ibuf [dreg:s8], $0x2FFFF;
	_ =	strace $0x9FFFFFFF  }
0xc4: {  	(tm) =	ssettm $0x7FFFFFFF  }
0xc5: {  	_ =	shalt  }
tec
execute0_lowered:
.L_overlay_start_1:
0x0: {  	(tag) =	ssettag $0x1  }
0x1: {  	s5 =	rddreg [dreg:$0x0]  }
0x2: {  	s0 =	srdreg.scid;
	s7 =	rddreg [dreg:$0x1]  }
0x3: {  	s3 =	stileid.u32;
	s1 =	rddreg [dreg:$0x2];
	s2 =	simm.s32 $0x0  }
0x4: {  	s17 =	simm.s32 $0x100;
	s18 =	simm.s32 $0x2;
	s19 =	simm.s32 $0x2400  }
0x5: {  	s20 =	simm.s32 $0x24000;
	s21 =	simm.s32 $0x500;
	s4 =	sand.u32 $0x1, s0  }
0x6: {  	s22 =	simm.s32 $0x0;
	p0 =	sne.s32 s3, $0x0;
	s0 =	sor.u32 s3, s4  }
0x7: {  	[smem:$0x7FF] =	sst s2;
	s11 =	sadd.s32 $0x40, s1;
	p1 =	seq.s32 s0, $0x0  }
0x8: {  	s12 =	sadd.s32 $0x50, s1;
	s13 =	sadd.s32 $0x60, s1;
	p1 =	por !p0, !p1  }
0x9: {  	s30 =	ssub.s32 $0x2, s4;
	s0 =	simm.s32 $0x1;
	p1 =	por !p1, !p1  }
0xa: {  	s3 =	smul.u32 $0x2400, s3;
	s10 =	sshrl.u32 s30, $0x1;
	s0 =	simm.s32 @!p1 $0x0  }
0xb: {  	s14 =	sadd.s32 $0x70, s1;
	s15 =	ssub.s32 s30, s10;
	s6 =	ssub.s32 s4, s0  }
0xc: {  	s31 =	sshrl.u32 s3, $0x3;
	s10 =	sadd.s32 $0x30, s1;
	s8 =	sshrl.u32 s6, $0x1  }
0xd: {  	s16 =	sadd.s32 $0x24000, s3;
	s9 =	sshll.u32 s6, $0x7;
	s8 =	smul.u32 $0xA00, s8  }
0xe: {  	s7 =	sadd.s32 s7, s31;
	s15 =	smax.u32 s15, $0x1;
	s9 =	sand.u32 $0x80, s9  }
0xf: {  	s0 =	rddreg [dreg:$0x3];
	_ =	strace $0x80000047;
	s8 =	sor.u32 s9, s8  }
0x10: {  	s4 =	simm.s32 $0x1;
	[dreg:$0x4] =	wrdreg s16;
	s8 =	sshrl.u32 s8, $0x3  }
0x11: {  	s16 =	simm.s32 $0x80;
	s9 =	sadd.s32 $0x20, s1;
	s8 =	sadd.s32 s8, s5  }
0x12: {  	s5 =	smul.u32 $0x500, s6;
	s6 =	sadd.s32 $0x400, s8;
	s8 =	sadd.s32 $0x10, s1  }
.LBB2_1:
0x13: {  	[tilespmem:s2], [sflag:$0x2] =	stream.strided.gather [hbm4b:s6+s16], $0x500, s17, s16, $0x38;
	[tilespmem:$0x7100] =	vst v63  }
0x14: {  	_ =	swait.ge [sflag:s18], $0x500  }
0x15: {  	[sflag:s18] =	ssyncset.done $0x0  }
0x16: {  	[sflag:s18] =	ssyncadd.s32 $0xFFFFFB00  }
0x17: {  	[tilespmem:s21], [sflag:$0x2] =	stream.strided.gather [hbm4b:s7+s19], $0x6C00, s20, s19, $0x38;
	[tilespmem:$0x7100] =	vst v63  }
0x18: {  	_ =	swait.ge [sflag:s18], $0x6C00  }
0x19: {  	[sflag:s18] =	ssyncset.done $0x0  }
0x1a: {  	s24 =	simm.s32 $0x0;
	s23 =	smov.u32 s5;
	[sflag:s18] =	ssyncadd.s32 $0xFFFF9400  }
.LBB2_2:
0x1b: {  	s25 =	sshra.s32 s24, $0x2  }
0x1c: {  	v0 =	vld [tilespmem:s25+$0x0];
	_ =	sdelay $0x4  }
0x1d: {  	(v2sf) =	vpush v0, $0x0;
	_ =	sdelay $0xe  }
0x1e: {  	s30 =	sshrl.u32 s23, $0x3;
	s26 =	spop (v2sf)  }
0x1f: {  	s25 =	smul.u32 $0x24000, s30;
	s28 =	sshrl.u32 s26, $0x3  }
0x20: {  	s28 =	smul.u32 $0x9000, s28  }
0x21: {  	s26 =	sshll.u32 s26, $0x7  }
0x22: {  	s29 =	sadd.s32 s3, s25;
	s30 =	sand.u32 $0x380, s26;
	s28 =	sshra.s32 s28, $0x2  }
0x23: {  	s26 =	sshrl.u32 s29, $0x3;
	s28 =	sor.u32 s30, s28  }
0x24: {  	s29 =	sadd.s32 s1, s26;
	s30 =	sadd.s32 $0x500, s28  }
0x25: {  	(v2sf) =	vpush v0, $0x1;
	[hbm4b:s29+s2] =	stream.linear.scatter [tilespmem:s30], [sflag:$0x1], $0x80, $0x38;
	[tilespmem:$0x7100] =	vst v63  }
0x26: {  	s31 =	sadd.s32 $0x80, s29;
	s30 =	sadd.s32 $0x900, s28  }
0x27: {  	[hbm4b:s31+s2] =	stream.linear.scatter [tilespmem:s30], [sflag:$0x1], $0x80, $0x38;
	[tilespmem:$0x7100] =	vst v63  }
0x28: {  	s30 =	sadd.s32 $0xD00, s28;
	s31 =	sadd.s32 $0x100, s29  }
0x29: {  	[hbm4b:s31+s2] =	stream.linear.scatter [tilespmem:s30], [sflag:$0x1], $0x80, $0x38;
	[tilespmem:$0x7100] =	vst v63  }
0x2a: {  	s30 =	sadd.s32 $0x1100, s28;
	s31 =	sadd.s32 $0x180, s29  }
0x2b: {  	[hbm4b:s31+s2] =	stream.linear.scatter [tilespmem:s30], [sflag:$0x1], $0x80, $0x38;
	[tilespmem:$0x7100] =	vst v63  }
0x2c: {  	s30 =	sadd.s32 $0x1500, s28;
	s31 =	sadd.s32 $0x200, s29  }
0x2d: {  	[hbm4b:s31+s2] =	stream.linear.scatter [tilespmem:s30], [sflag:$0x1], $0x80, $0x38;
	[tilespmem:$0x7100] =	vst v63  }
0x2e: {  	s30 =	sadd.s32 $0x1900, s28;
	s31 =	sadd.s32 $0x280, s29  }
0x2f: {  	[hbm4b:s31+s2] =	stream.linear.scatter [tilespmem:s30], [sflag:$0x1], $0x80, $0x38;
	[tilespmem:$0x7100] =	vst v63  }
0x30: {  	s30 =	sadd.s32 $0x1D00, s28;
	s31 =	sadd.s32 $0x300, s29  }
0x31: {  	[hbm4b:s31+s2] =	stream.linear.scatter [tilespmem:s30], [sflag:$0x1], $0x80, $0x38;
	[tilespmem:$0x7100] =	vst v63  }
0x32: {  	s30 =	sadd.s32 $0x2100, s28;
	s31 =	sadd.s32 $0x380, s29  }
0x33: {  	[hbm4b:s31+s2] =	stream.linear.scatter [tilespmem:s30], [sflag:$0x1], $0x80, $0x38;
	[tilespmem:$0x7100] =	vst v63  }
0x34: {  	s31 =	spop (v2sf)  }
0x35: {  	s28 =	sadd.s32 $0x2500, s28;
	s29 =	sadd.s32 $0x400, s29;
	s30 =	sshrl.u32 s31, $0x3  }
0x36: {  	[hbm4b:s29+s2] =	stream.linear.scatter [tilespmem:s28], [sflag:$0x1], $0x80, $0x38;
	[tilespmem:$0x7100] =	vst v63  }
0x37: {  	s29 =	smul.u32 $0x9000, s30  }
0x38: {  	s28 =	sshll.u32 s31, $0x7  }
0x39: {  	s28 =	sand.u32 $0x380, s28;
	s29 =	sshra.s32 s29, $0x2  }
0x3a: {  	s28 =	sor.u32 s28, s29  }
0x3b: {  	s29 =	sadd.s32 s26, s8;
	s31 =	sadd.s32 $0x500, s28  }
0x3c: {  	(v2sf) =	vpush v0, $0x2;
	[hbm4b:s29+s2] =	stream.linear.scatter [tilespmem:s31], [sflag:$0x1], $0x80, $0x38;
	[tilespmem:$0x7100] =	vst v63  }
0x3d: {  	s30 =	sadd.s32 $0x900, s28;
	s31 =	sadd.s32 $0x80, s29  }
0x3e: {  	[hbm4b:s31+s2] =	stream.linear.scatter [tilespmem:s30], [sflag:$0x1], $0x80, $0x38;
	[tilespmem:$0x7100] =	vst v63  }
0x3f: {  	s30 =	sadd.s32 $0xD00, s28;
	s31 =	sadd.s32 $0x100, s29  }
0x40: {  	[hbm4b:s31+s2] =	stream.linear.scatter [tilespmem:s30], [sflag:$0x1], $0x80, $0x38;
	[tilespmem:$0x7100] =	vst v63  }
0x41: {  	s30 =	sadd.s32 $0x1100, s28;
	s31 =	sadd.s32 $0x180, s29  }
0x42: {  	[hbm4b:s31+s2] =	stream.linear.scatter [tilespmem:s30], [sflag:$0x1], $0x80, $0x38;
	[tilespmem:$0x7100] =	vst v63  }
0x43: {  	s30 =	sadd.s32 $0x1500, s28;
	s31 =	sadd.s32 $0x200, s29  }
0x44: {  	[hbm4b:s31+s2] =	stream.linear.scatter [tilespmem:s30], [sflag:$0x1], $0x80, $0x38;
	[tilespmem:$0x7100] =	vst v63  }
0x45: {  	s30 =	sadd.s32 $0x1900, s28;
	s31 =	sadd.s32 $0x280, s29  }
0x46: {  	[hbm4b:s31+s2] =	stream.linear.scatter [tilespmem:s30], [sflag:$0x1], $0x80, $0x38;
	[tilespmem:$0x7100] =	vst v63  }
0x47: {  	s30 =	sadd.s32 $0x1D00, s28;
	s31 =	sadd.s32 $0x300, s29  }
0x48: {  	[hbm4b:s31+s2] =	stream.linear.scatter [tilespmem:s30], [sflag:$0x1], $0x80, $0x38;
	[tilespmem:$0x7100] =	vst v63  }
0x49: {  	s30 =	sadd.s32 $0x2100, s28;
	s31 =	sadd.s32 $0x380, s29  }
0x4a: {  	[hbm4b:s31+s2] =	stream.linear.scatter [tilespmem:s30], [sflag:$0x1], $0x80, $0x38;
	[tilespmem:$0x7100] =	vst v63  }
0x4b: {  	s31 =	spop (v2sf)  }
0x4c: {  	s28 =	sadd.s32 $0x2500, s28;
	s29 =	sadd.s32 $0x400, s29;
	s30 =	sshrl.u32 s31, $0x3  }
0x4d: {  	[hbm4b:s29+s2] =	stream.linear.scatter [tilespmem:s28], [sflag:$0x1], $0x80, $0x38;
	[tilespmem:$0x7100] =	vst v63  }
0x4e: {  	s29 =	smul.u32 $0x9000, s30  }
0x4f: {  	s28 =	sshll.u32 s31, $0x7  }
0x50: {  	s28 =	sand.u32 $0x380, s28;
	s29 =	sshra.s32 s29, $0x2  }
0x51: {  	s28 =	sor.u32 s28, s29  }
0x52: {  	s29 =	sadd.s32 s26, s9;
	s31 =	sadd.s32 $0x500, s28  }
0x53: {  	(v2sf) =	vpush v0, $0x3;
	[hbm4b:s29+s2] =	stream.linear.scatter [tilespmem:s31], [sflag:$0x1], $0x80, $0x38;
	[tilespmem:$0x7100] =	vst v63  }
0x54: {  	s30 =	sadd.s32 $0x900, s28;
	s31 =	sadd.s32 $0x80, s29  }
0x55: {  	[hbm4b:s31+s2] =	stream.linear.scatter [tilespmem:s30], [sflag:$0x1], $0x80, $0x38;
	[tilespmem:$0x7100] =	vst v63  }
0x56: {  	s30 =	sadd.s32 $0xD00, s28;
	s31 =	sadd.s32 $0x100, s29  }
0x57: {  	[hbm4b:s31+s2] =	stream.linear.scatter [tilespmem:s30], [sflag:$0x1], $0x80, $0x38;
	[tilespmem:$0x7100] =	vst v63  }
0x58: {  	s30 =	sadd.s32 $0x1100, s28;
	s31 =	sadd.s32 $0x180, s29  }
0x59: {  	[hbm4b:s31+s2] =	stream.linear.scatter [tilespmem:s30], [sflag:$0x1], $0x80, $0x38;
	[tilespmem:$0x7100] =	vst v63  }
0x5a: {  	s30 =	sadd.s32 $0x1500, s28;
	s31 =	sadd.s32 $0x200, s29  }
0x5b: {  	[hbm4b:s31+s2] =	stream.linear.scatter [tilespmem:s30], [sflag:$0x1], $0x80, $0x38;
	[tilespmem:$0x7100] =	vst v63  }
0x5c: {  	s30 =	sadd.s32 $0x1900, s28;
	s31 =	sadd.s32 $0x280, s29  }
0x5d: {  	[hbm4b:s31+s2] =	stream.linear.scatter [tilespmem:s30], [sflag:$0x1], $0x80, $0x38;
	[tilespmem:$0x7100] =	vst v63  }
0x5e: {  	s30 =	sadd.s32 $0x1D00, s28;
	s31 =	sadd.s32 $0x300, s29  }
0x5f: {  	[hbm4b:s31+s2] =	stream.linear.scatter [tilespmem:s30], [sflag:$0x1], $0x80, $0x38;
	[tilespmem:$0x7100] =	vst v63  }
0x60: {  	s30 =	sadd.s32 $0x2100, s28;
	s31 =	sadd.s32 $0x380, s29  }
0x61: {  	[hbm4b:s31+s2] =	stream.linear.scatter [tilespmem:s30], [sflag:$0x1], $0x80, $0x38;
	[tilespmem:$0x7100] =	vst v63  }
0x62: {  	s31 =	spop (v2sf)  }
0x63: {  	s28 =	sadd.s32 $0x2500, s28;
	s29 =	sadd.s32 $0x400, s29;
	s30 =	sshrl.u32 s31, $0x3  }
0x64: {  	[hbm4b:s29+s2] =	stream.linear.scatter [tilespmem:s28], [sflag:$0x1], $0x80, $0x38;
	[tilespmem:$0x7100] =	vst v63  }
0x65: {  	s29 =	smul.u32 $0x9000, s30  }
0x66: {  	s28 =	sshll.u32 s31, $0x7  }
0x67: {  	s28 =	sand.u32 $0x380, s28;
	s29 =	sshra.s32 s29, $0x2  }
0x68: {  	s28 =	sor.u32 s28, s29  }
0x69: {  	s29 =	sadd.s32 s26, s10;
	s31 =	sadd.s32 $0x500, s28  }
0x6a: {  	(v2sf) =	vpush v0, $0x4;
	[hbm4b:s29+s2] =	stream.linear.scatter [tilespmem:s31], [sflag:$0x1], $0x80, $0x38;
	[tilespmem:$0x7100] =	vst v63  }
0x6b: {  	s30 =	sadd.s32 $0x900, s28;
	s31 =	sadd.s32 $0x80, s29  }
0x6c: {  	[hbm4b:s31+s2] =	stream.linear.scatter [tilespmem:s30], [sflag:$0x1], $0x80, $0x38;
	[tilespmem:$0x7100] =	vst v63  }
0x6d: {  	s30 =	sadd.s32 $0xD00, s28;
	s31 =	sadd.s32 $0x100, s29  }
0x6e: {  	[hbm4b:s31+s2] =	stream.linear.scatter [tilespmem:s30], [sflag:$0x1], $0x80, $0x38;
	[tilespmem:$0x7100] =	vst v63  }
0x6f: {  	s30 =	sadd.s32 $0x1100, s28;
	s31 =	sadd.s32 $0x180, s29  }
0x70: {  	[hbm4b:s31+s2] =	stream.linear.scatter [tilespmem:s30], [sflag:$0x1], $0x80, $0x38;
	[tilespmem:$0x7100] =	vst v63  }
0x71: {  	s30 =	sadd.s32 $0x1500, s28;
	s31 =	sadd.s32 $0x200, s29  }
0x72: {  	[hbm4b:s31+s2] =	stream.linear.scatter [tilespmem:s30], [sflag:$0x1], $0x80, $0x38;
	[tilespmem:$0x7100] =	vst v63  }
0x73: {  	s30 =	sadd.s32 $0x1900, s28;
	s31 =	sadd.s32 $0x280, s29  }
0x74: {  	[hbm4b:s31+s2] =	stream.linear.scatter [tilespmem:s30], [sflag:$0x1], $0x80, $0x38;
	[tilespmem:$0x7100] =	vst v63  }
0x75: {  	s30 =	sadd.s32 $0x1D00, s28;
	s31 =	sadd.s32 $0x300, s29  }
0x76: {  	[hbm4b:s31+s2] =	stream.linear.scatter [tilespmem:s30], [sflag:$0x1], $0x80, $0x38;
	[tilespmem:$0x7100] =	vst v63  }
0x77: {  	s30 =	sadd.s32 $0x2100, s28;
	s31 =	sadd.s32 $0x380, s29  }
0x78: {  	[hbm4b:s31+s2] =	stream.linear.scatter [tilespmem:s30], [sflag:$0x1], $0x80, $0x38;
	[tilespmem:$0x7100] =	vst v63  }
0x79: {  	s31 =	spop (v2sf)  }
0x7a: {  	s28 =	sadd.s32 $0x2500, s28;
	s29 =	sadd.s32 $0x400, s29;
	s30 =	sshrl.u32 s31, $0x3  }
0x7b: {  	[hbm4b:s29+s2] =	stream.linear.scatter [tilespmem:s28], [sflag:$0x1], $0x80, $0x38;
	[tilespmem:$0x7100] =	vst v63  }
0x7c: {  	s29 =	smul.u32 $0x9000, s30  }
0x7d: {  	s28 =	sshll.u32 s31, $0x7  }
0x7e: {  	s28 =	sand.u32 $0x380, s28;
	s29 =	sshra.s32 s29, $0x2  }
0x7f: {  	s28 =	sor.u32 s28, s29  }
0x80: {  	s29 =	sadd.s32 s26, s11;
	s31 =	sadd.s32 $0x500, s28  }
0x81: {  	(v2sf) =	vpush v0, $0x5;
	[hbm4b:s29+s2] =	stream.linear.scatter [tilespmem:s31], [sflag:$0x1], $0x80, $0x38;
	[tilespmem:$0x7100] =	vst v63  }
0x82: {  	s30 =	sadd.s32 $0x900, s28;
	s31 =	sadd.s32 $0x80, s29  }
0x83: {  	[hbm4b:s31+s2] =	stream.linear.scatter [tilespmem:s30], [sflag:$0x1], $0x80, $0x38;
	[tilespmem:$0x7100] =	vst v63  }
0x84: {  	s30 =	sadd.s32 $0xD00, s28;
	s31 =	sadd.s32 $0x100, s29  }
0x85: {  	[hbm4b:s31+s2] =	stream.linear.scatter [tilespmem:s30], [sflag:$0x1], $0x80, $0x38;
	[tilespmem:$0x7100] =	vst v63  }
0x86: {  	s30 =	sadd.s32 $0x1100, s28;
	s31 =	sadd.s32 $0x180, s29  }
0x87: {  	[hbm4b:s31+s2] =	stream.linear.scatter [tilespmem:s30], [sflag:$0x1], $0x80, $0x38;
	[tilespmem:$0x7100] =	vst v63  }
0x88: {  	s30 =	sadd.s32 $0x1500, s28;
	s31 =	sadd.s32 $0x200, s29  }
0x89: {  	[hbm4b:s31+s2] =	stream.linear.scatter [tilespmem:s30], [sflag:$0x1], $0x80, $0x38;
	[tilespmem:$0x7100] =	vst v63  }
0x8a: {  	s30 =	sadd.s32 $0x1900, s28;
	s31 =	sadd.s32 $0x280, s29  }
0x8b: {  	[hbm4b:s31+s2] =	stream.linear.scatter [tilespmem:s30], [sflag:$0x1], $0x80, $0x38;
	[tilespmem:$0x7100] =	vst v63  }
0x8c: {  	s30 =	sadd.s32 $0x1D00, s28;
	s31 =	sadd.s32 $0x300, s29  }
0x8d: {  	[hbm4b:s31+s2] =	stream.linear.scatter [tilespmem:s30], [sflag:$0x1], $0x80, $0x38;
	[tilespmem:$0x7100] =	vst v63  }
0x8e: {  	s30 =	sadd.s32 $0x2100, s28;
	s31 =	sadd.s32 $0x380, s29  }
0x8f: {  	[hbm4b:s31+s2] =	stream.linear.scatter [tilespmem:s30], [sflag:$0x1], $0x80, $0x38;
	[tilespmem:$0x7100] =	vst v63  }
0x90: {  	s31 =	spop (v2sf)  }
0x91: {  	s28 =	sadd.s32 $0x2500, s28;
	s29 =	sadd.s32 $0x400, s29;
	s30 =	sshrl.u32 s31, $0x3  }
0x92: {  	[hbm4b:s29+s2] =	stream.linear.scatter [tilespmem:s28], [sflag:$0x1], $0x80, $0x38;
	[tilespmem:$0x7100] =	vst v63  }
0x93: {  	s29 =	smul.u32 $0x9000, s30  }
0x94: {  	s28 =	sshll.u32 s31, $0x7  }
0x95: {  	s28 =	sand.u32 $0x380, s28;
	s29 =	sshra.s32 s29, $0x2  }
0x96: {  	s28 =	sor.u32 s28, s29  }
0x97: {  	s29 =	sadd.s32 s26, s12;
	s31 =	sadd.s32 $0x500, s28  }
0x98: {  	(v2sf) =	vpush v0, $0x6;
	[hbm4b:s29+s2] =	stream.linear.scatter [tilespmem:s31], [sflag:$0x1], $0x80, $0x38;
	[tilespmem:$0x7100] =	vst v63  }
0x99: {  	s30 =	sadd.s32 $0x900, s28;
	s31 =	sadd.s32 $0x80, s29  }
0x9a: {  	[hbm4b:s31+s2] =	stream.linear.scatter [tilespmem:s30], [sflag:$0x1], $0x80, $0x38;
	[tilespmem:$0x7100] =	vst v63  }
0x9b: {  	s30 =	sadd.s32 $0xD00, s28;
	s31 =	sadd.s32 $0x100, s29  }
0x9c: {  	[hbm4b:s31+s2] =	stream.linear.scatter [tilespmem:s30], [sflag:$0x1], $0x80, $0x38;
	[tilespmem:$0x7100] =	vst v63  }
0x9d: {  	s30 =	sadd.s32 $0x1100, s28;
	s31 =	sadd.s32 $0x180, s29  }
0x9e: {  	[hbm4b:s31+s2] =	stream.linear.scatter [tilespmem:s30], [sflag:$0x1], $0x80, $0x38;
	[tilespmem:$0x7100] =	vst v63  }
0x9f: {  	s30 =	sadd.s32 $0x1500, s28;
	s31 =	sadd.s32 $0x200, s29  }
0xa0: {  	[hbm4b:s31+s2] =	stream.linear.scatter [tilespmem:s30], [sflag:$0x1], $0x80, $0x38;
	[tilespmem:$0x7100] =	vst v63  }
0xa1: {  	s30 =	sadd.s32 $0x1900, s28;
	s31 =	sadd.s32 $0x280, s29  }
0xa2: {  	[hbm4b:s31+s2] =	stream.linear.scatter [tilespmem:s30], [sflag:$0x1], $0x80, $0x38;
	[tilespmem:$0x7100] =	vst v63  }
0xa3: {  	s30 =	sadd.s32 $0x1D00, s28;
	s31 =	sadd.s32 $0x300, s29  }
0xa4: {  	[hbm4b:s31+s2] =	stream.linear.scatter [tilespmem:s30], [sflag:$0x1], $0x80, $0x38;
	[tilespmem:$0x7100] =	vst v63  }
0xa5: {  	s30 =	sadd.s32 $0x2100, s28;
	s31 =	sadd.s32 $0x380, s29  }
0xa6: {  	[hbm4b:s31+s2] =	stream.linear.scatter [tilespmem:s30], [sflag:$0x1], $0x80, $0x38;
	[tilespmem:$0x7100] =	vst v63  }
0xa7: {  	s31 =	spop (v2sf)  }
0xa8: {  	s28 =	sadd.s32 $0x2500, s28;
	s29 =	sadd.s32 $0x400, s29;
	s30 =	sshrl.u32 s31, $0x3  }
0xa9: {  	[hbm4b:s29+s2] =	stream.linear.scatter [tilespmem:s28], [sflag:$0x1], $0x80, $0x38;
	[tilespmem:$0x7100] =	vst v63  }
0xaa: {  	s29 =	smul.u32 $0x9000, s30  }
0xab: {  	s28 =	sshll.u32 s31, $0x7  }
0xac: {  	s28 =	sand.u32 $0x380, s28;
	s29 =	sshra.s32 s29, $0x2  }
0xad: {  	s28 =	sor.u32 s28, s29  }
0xae: {  	s29 =	sadd.s32 s26, s13;
	s31 =	sadd.s32 $0x500, s28  }
0xaf: {  	(v2sf) =	vpush v0, $0x7;
	[hbm4b:s29+s2] =	stream.linear.scatter [tilespmem:s31], [sflag:$0x1], $0x80, $0x38;
	[tilespmem:$0x7100] =	vst v63  }
0xb0: {  	s30 =	sadd.s32 $0x900, s28;
	s31 =	sadd.s32 $0x80, s29  }
0xb1: {  	[hbm4b:s31+s2] =	stream.linear.scatter [tilespmem:s30], [sflag:$0x1], $0x80, $0x38;
	[tilespmem:$0x7100] =	vst v63  }
0xb2: {  	s30 =	sadd.s32 $0xD00, s28;
	s31 =	sadd.s32 $0x100, s29  }
0xb3: {  	[hbm4b:s31+s2] =	stream.linear.scatter [tilespmem:s30], [sflag:$0x1], $0x80, $0x38;
	[tilespmem:$0x7100] =	vst v63  }
0xb4: {  	s30 =	sadd.s32 $0x1100, s28;
	s31 =	sadd.s32 $0x180, s29  }
0xb5: {  	[hbm4b:s31+s2] =	stream.linear.scatter [tilespmem:s30], [sflag:$0x1], $0x80, $0x38;
	[tilespmem:$0x7100] =	vst v63  }
0xb6: {  	s30 =	sadd.s32 $0x1500, s28;
	s31 =	sadd.s32 $0x200, s29  }
0xb7: {  	[hbm4b:s31+s2] =	stream.linear.scatter [tilespmem:s30], [sflag:$0x1], $0x80, $0x38;
	[tilespmem:$0x7100] =	vst v63  }
0xb8: {  	s30 =	sadd.s32 $0x1900, s28;
	s31 =	sadd.s32 $0x280, s29  }
0xb9: {  	[hbm4b:s31+s2] =	stream.linear.scatter [tilespmem:s30], [sflag:$0x1], $0x80, $0x38;
	[tilespmem:$0x7100] =	vst v63  }
0xba: {  	s30 =	sadd.s32 $0x1D00, s28;
	s31 =	sadd.s32 $0x300, s29  }
0xbb: {  	[hbm4b:s31+s2] =	stream.linear.scatter [tilespmem:s30], [sflag:$0x1], $0x80, $0x38;
	[tilespmem:$0x7100] =	vst v63  }
0xbc: {  	s30 =	sadd.s32 $0x2100, s28;
	s31 =	sadd.s32 $0x380, s29  }
0xbd: {  	[hbm4b:s31+s2] =	stream.linear.scatter [tilespmem:s30], [sflag:$0x1], $0x80, $0x38;
	[tilespmem:$0x7100] =	vst v63  }
0xbe: {  	s31 =	spop (v2sf)  }
0xbf: {  	s28 =	sadd.s32 $0x2500, s28;
	s29 =	sadd.s32 $0x400, s29;
	s30 =	sshrl.u32 s31, $0x3  }
0xc0: {  	[hbm4b:s29+s2] =	stream.linear.scatter [tilespmem:s28], [sflag:$0x1], $0x80, $0x38;
	[tilespmem:$0x7100] =	vst v63  }
0xc1: {  	s29 =	smul.u32 $0x9000, s30  }
0xc2: {  	s28 =	sshll.u32 s31, $0x7  }
0xc3: {  	s28 =	sand.u32 $0x380, s28;
	s29 =	sshra.s32 s29, $0x2  }
0xc4: {  	s28 =	sor.u32 s28, s29  }
0xc5: {  	s26 =	sadd.s32 s26, s14;
	s29 =	sadd.s32 $0x500, s28  }
0xc6: {  	[hbm4b:s26+s2] =	stream.linear.scatter [tilespmem:s29], [sflag:$0x1], $0x80, $0x38;
	[tilespmem:$0x7100] =	vst v63  }
0xc7: {  	s31 =	sadd.s32 $0x80, s26;
	s29 =	sadd.s32 $0x900, s28  }
0xc8: {  	(v2sf) =	vpush v0, $0x8;
	[hbm4b:s31+s2] =	stream.linear.scatter [tilespmem:s29], [sflag:$0x1], $0x80, $0x38;
	[tilespmem:$0x7100] =	vst v63  }
0xc9: {  	s29 =	sadd.s32 $0xD00, s28;
	s31 =	sadd.s32 $0x100, s26  }
0xca: {  	[hbm4b:s31+s2] =	stream.linear.scatter [tilespmem:s29], [sflag:$0x1], $0x80, $0x38;
	[tilespmem:$0x7100] =	vst v63  }
0xcb: {  	s29 =	sadd.s32 $0x1100, s28;
	s31 =	sadd.s32 $0x180, s26  }
0xcc: {  	[hbm4b:s31+s2] =	stream.linear.scatter [tilespmem:s29], [sflag:$0x1], $0x80, $0x38;
	[tilespmem:$0x7100] =	vst v63  }
0xcd: {  	s29 =	sadd.s32 $0x1500, s28;
	s31 =	sadd.s32 $0x200, s26  }
0xce: {  	[hbm4b:s31+s2] =	stream.linear.scatter [tilespmem:s29], [sflag:$0x1], $0x80, $0x38;
	[tilespmem:$0x7100] =	vst v63  }
0xcf: {  	s29 =	sadd.s32 $0x1900, s28;
	s31 =	sadd.s32 $0x280, s26  }
0xd0: {  	[hbm4b:s31+s2] =	stream.linear.scatter [tilespmem:s29], [sflag:$0x1], $0x80, $0x38;
	[tilespmem:$0x7100] =	vst v63  }
0xd1: {  	s29 =	sadd.s32 $0x1D00, s28;
	s31 =	sadd.s32 $0x300, s26  }
0xd2: {  	[hbm4b:s31+s2] =	stream.linear.scatter [tilespmem:s29], [sflag:$0x1], $0x80, $0x38;
	[tilespmem:$0x7100] =	vst v63  }
0xd3: {  	s29 =	sadd.s32 $0x2100, s28;
	s31 =	sadd.s32 $0x380, s26  }
0xd4: {  	[hbm4b:s31+s2] =	stream.linear.scatter [tilespmem:s29], [sflag:$0x1], $0x80, $0x38;
	[tilespmem:$0x7100] =	vst v63  }
0xd5: {  	s28 =	sadd.s32 $0x2500, s28;
	s26 =	sadd.s32 $0x400, s26  }
0xd6: {  	[hbm4b:s26+s2] =	stream.linear.scatter [tilespmem:s28], [sflag:$0x1], $0x80, $0x38;
	[tilespmem:$0x7100] =	vst v63  }
0xd7: {  	s26 =	spop (v2sf)  }
0xd8: {  	s31 =	sshrl.u32 s26, $0x3  }
0xd9: {  	s29 =	smul.u32 $0x9000, s31  }
0xda: {  	s30 =	rddreg [dreg:$0x4];
	s26 =	sshll.u32 s26, $0x7  }
0xdb: {  	s25 =	sadd.s32 s25, s30;
	s26 =	sand.u32 $0x380, s26;
	s29 =	sshra.s32 s29, $0x2  }
0xdc: {  	s25 =	sshrl.u32 s25, $0x3;
	s26 =	sor.u32 s26, s29  }
0xdd: {  	s28 =	sadd.s32 s1, s25;
	s30 =	sadd.s32 $0x500, s26  }
0xde: {  	(v2sf) =	vpush v0, $0x9;
	[hbm4b:s28+s2] =	stream.linear.scatter [tilespmem:s30], [sflag:$0x1], $0x80, $0x38;
	[tilespmem:$0x7100] =	vst v63  }
0xdf: {  	s31 =	sadd.s32 $0x80, s28;
	s29 =	sadd.s32 $0x900, s26  }
0xe0: {  	[hbm4b:s31+s2] =	stream.linear.scatter [tilespmem:s29], [sflag:$0x1], $0x80, $0x38;
	[tilespmem:$0x7100] =	vst v63  }
0xe1: {  	s29 =	sadd.s32 $0xD00, s26;
	s31 =	sadd.s32 $0x100, s28  }
0xe2: {  	[hbm4b:s31+s2] =	stream.linear.scatter [tilespmem:s29], [sflag:$0x1], $0x80, $0x38;
	[tilespmem:$0x7100] =	vst v63  }
0xe3: {  	s29 =	sadd.s32 $0x1100, s26;
	s31 =	sadd.s32 $0x180, s28  }
0xe4: {  	[hbm4b:s31+s2] =	stream.linear.scatter [tilespmem:s29], [sflag:$0x1], $0x80, $0x38;
	[tilespmem:$0x7100] =	vst v63  }
0xe5: {  	s29 =	sadd.s32 $0x1500, s26;
	s31 =	sadd.s32 $0x200, s28  }
0xe6: {  	[hbm4b:s31+s2] =	stream.linear.scatter [tilespmem:s29], [sflag:$0x1], $0x80, $0x38;
	[tilespmem:$0x7100] =	vst v63  }
0xe7: {  	s29 =	sadd.s32 $0x1900, s26;
	s31 =	sadd.s32 $0x280, s28  }
0xe8: {  	[hbm4b:s31+s2] =	stream.linear.scatter [tilespmem:s29], [sflag:$0x1], $0x80, $0x38;
	[tilespmem:$0x7100] =	vst v63  }
0xe9: {  	s29 =	sadd.s32 $0x1D00, s26;
	s31 =	sadd.s32 $0x300, s28  }
0xea: {  	[hbm4b:s31+s2] =	stream.linear.scatter [tilespmem:s29], [sflag:$0x1], $0x80, $0x38;
	[tilespmem:$0x7100] =	vst v63  }
0xeb: {  	s29 =	sadd.s32 $0x2100, s26;
	s31 =	sadd.s32 $0x380, s28  }
0xec: {  	[hbm4b:s31+s2] =	stream.linear.scatter [tilespmem:s29], [sflag:$0x1], $0x80, $0x38;
	[tilespmem:$0x7100] =	vst v63  }
0xed: {  	s31 =	spop (v2sf)  }
0xee: {  	s26 =	sadd.s32 $0x2500, s26;
	s28 =	sadd.s32 $0x400, s28;
	s29 =	sshrl.u32 s31, $0x3  }
0xef: {  	[hbm4b:s28+s2] =	stream.linear.scatter [tilespmem:s26], [sflag:$0x1], $0x80, $0x38;
	[tilespmem:$0x7100] =	vst v63  }
0xf0: {  	s28 =	smul.u32 $0x9000, s29  }
0xf1: {  	s26 =	sshll.u32 s31, $0x7  }
0xf2: {  	s26 =	sand.u32 $0x380, s26;
	s28 =	sshra.s32 s28, $0x2  }
0xf3: {  	s26 =	sor.u32 s26, s28  }
0xf4: {  	s28 =	sadd.s32 s25, s8;
	s30 =	sadd.s32 $0x500, s26  }
0xf5: {  	(v2sf) =	vpush v0, $0xA;
	[hbm4b:s28+s2] =	stream.linear.scatter [tilespmem:s30], [sflag:$0x1], $0x80, $0x38;
	[tilespmem:$0x7100] =	vst v63  }
0xf6: {  	s29 =	sadd.s32 $0x900, s26;
	s31 =	sadd.s32 $0x80, s28  }
0xf7: {  	[hbm4b:s31+s2] =	stream.linear.scatter [tilespmem:s29], [sflag:$0x1], $0x80, $0x38;
	[tilespmem:$0x7100] =	vst v63  }
0xf8: {  	s29 =	sadd.s32 $0xD00, s26;
	s31 =	sadd.s32 $0x100, s28  }
0xf9: {  	[hbm4b:s31+s2] =	stream.linear.scatter [tilespmem:s29], [sflag:$0x1], $0x80, $0x38;
	[tilespmem:$0x7100] =	vst v63  }
0xfa: {  	s29 =	sadd.s32 $0x1100, s26;
	s31 =	sadd.s32 $0x180, s28  }
0xfb: {  	[hbm4b:s31+s2] =	stream.linear.scatter [tilespmem:s29], [sflag:$0x1], $0x80, $0x38;
	[tilespmem:$0x7100] =	vst v63  }
0xfc: {  	s29 =	sadd.s32 $0x1500, s26;
	s31 =	sadd.s32 $0x200, s28  }
0xfd: {  	[hbm4b:s31+s2] =	stream.linear.scatter [tilespmem:s29], [sflag:$0x1], $0x80, $0x38;
	[tilespmem:$0x7100] =	vst v63  }
0xfe: {  	s29 =	sadd.s32 $0x1900, s26;
	s31 =	sadd.s32 $0x280, s28  }
0xff: {  	[hbm4b:s31+s2] =	stream.linear.scatter [tilespmem:s29], [sflag:$0x1], $0x80, $0x38;
	[tilespmem:$0x7100] =	vst v63  }
0x100: {  	s29 =	sadd.s32 $0x1D00, s26;
	s31 =	sadd.s32 $0x300, s28  }
0x101: {  	[hbm4b:s31+s2] =	stream.linear.scatter [tilespmem:s29], [sflag:$0x1], $0x80, $0x38;
	[tilespmem:$0x7100] =	vst v63  }
0x102: {  	s29 =	sadd.s32 $0x2100, s26;
	s31 =	sadd.s32 $0x380, s28  }
0x103: {  	[hbm4b:s31+s2] =	stream.linear.scatter [tilespmem:s29], [sflag:$0x1], $0x80, $0x38;
	[tilespmem:$0x7100] =	vst v63  }
0x104: {  	s31 =	spop (v2sf)  }
0x105: {  	s26 =	sadd.s32 $0x2500, s26;
	s28 =	sadd.s32 $0x400, s28;
	s29 =	sshrl.u32 s31, $0x3  }
0x106: {  	[hbm4b:s28+s2] =	stream.linear.scatter [tilespmem:s26], [sflag:$0x1], $0x80, $0x38;
	[tilespmem:$0x7100] =	vst v63  }
0x107: {  	s28 =	smul.u32 $0x9000, s29  }
0x108: {  	s26 =	sshll.u32 s31, $0x7  }
0x109: {  	s26 =	sand.u32 $0x380, s26;
	s28 =	sshra.s32 s28, $0x2  }
0x10a: {  	s26 =	sor.u32 s26, s28  }
0x10b: {  	s28 =	sadd.s32 s25, s9;
	s30 =	sadd.s32 $0x500, s26  }
0x10c: {  	(v2sf) =	vpush v0, $0xB;
	[hbm4b:s28+s2] =	stream.linear.scatter [tilespmem:s30], [sflag:$0x1], $0x80, $0x38;
	[tilespmem:$0x7100] =	vst v63  }
0x10d: {  	s29 =	sadd.s32 $0x900, s26;
	s31 =	sadd.s32 $0x80, s28  }
0x10e: {  	[hbm4b:s31+s2] =	stream.linear.scatter [tilespmem:s29], [sflag:$0x1], $0x80, $0x38;
	[tilespmem:$0x7100] =	vst v63  }
0x10f: {  	s29 =	sadd.s32 $0xD00, s26;
	s31 =	sadd.s32 $0x100, s28  }
0x110: {  	[hbm4b:s31+s2] =	stream.linear.scatter [tilespmem:s29], [sflag:$0x1], $0x80, $0x38;
	[tilespmem:$0x7100] =	vst v63  }
0x111: {  	s29 =	sadd.s32 $0x1100, s26;
	s31 =	sadd.s32 $0x180, s28  }
0x112: {  	[hbm4b:s31+s2] =	stream.linear.scatter [tilespmem:s29], [sflag:$0x1], $0x80, $0x38;
	[tilespmem:$0x7100] =	vst v63  }
0x113: {  	s29 =	sadd.s32 $0x1500, s26;
	s31 =	sadd.s32 $0x200, s28  }
0x114: {  	[hbm4b:s31+s2] =	stream.linear.scatter [tilespmem:s29], [sflag:$0x1], $0x80, $0x38;
	[tilespmem:$0x7100] =	vst v63  }
0x115: {  	s29 =	sadd.s32 $0x1900, s26;
	s31 =	sadd.s32 $0x280, s28  }
0x116: {  	[hbm4b:s31+s2] =	stream.linear.scatter [tilespmem:s29], [sflag:$0x1], $0x80, $0x38;
	[tilespmem:$0x7100] =	vst v63  }
0x117: {  	s29 =	sadd.s32 $0x1D00, s26;
	s31 =	sadd.s32 $0x300, s28  }
0x118: {  	[hbm4b:s31+s2] =	stream.linear.scatter [tilespmem:s29], [sflag:$0x1], $0x80, $0x38;
	[tilespmem:$0x7100] =	vst v63  }
0x119: {  	s29 =	sadd.s32 $0x2100, s26;
	s31 =	sadd.s32 $0x380, s28  }
0x11a: {  	[hbm4b:s31+s2] =	stream.linear.scatter [tilespmem:s29], [sflag:$0x1], $0x80, $0x38;
	[tilespmem:$0x7100] =	vst v63  }
0x11b: {  	s31 =	spop (v2sf)  }
0x11c: {  	s26 =	sadd.s32 $0x2500, s26;
	s28 =	sadd.s32 $0x400, s28;
	s29 =	sshrl.u32 s31, $0x3  }
0x11d: {  	[hbm4b:s28+s2] =	stream.linear.scatter [tilespmem:s26], [sflag:$0x1], $0x80, $0x38;
	[tilespmem:$0x7100] =	vst v63  }
0x11e: {  	s28 =	smul.u32 $0x9000, s29  }
0x11f: {  	s26 =	sshll.u32 s31, $0x7  }
0x120: {  	s26 =	sand.u32 $0x380, s26;
	s28 =	sshra.s32 s28, $0x2  }
0x121: {  	s26 =	sor.u32 s26, s28  }
0x122: {  	s28 =	sadd.s32 s25, s10;
	s30 =	sadd.s32 $0x500, s26  }
0x123: {  	(v2sf) =	vpush v0, $0xC;
	[hbm4b:s28+s2] =	stream.linear.scatter [tilespmem:s30], [sflag:$0x1], $0x80, $0x38;
	[tilespmem:$0x7100] =	vst v63  }
0x124: {  	s29 =	sadd.s32 $0x900, s26;
	s31 =	sadd.s32 $0x80, s28  }
0x125: {  	[hbm4b:s31+s2] =	stream.linear.scatter [tilespmem:s29], [sflag:$0x1], $0x80, $0x38;
	[tilespmem:$0x7100] =	vst v63  }
0x126: {  	s29 =	sadd.s32 $0xD00, s26;
	s31 =	sadd.s32 $0x100, s28  }
0x127: {  	[hbm4b:s31+s2] =	stream.linear.scatter [tilespmem:s29], [sflag:$0x1], $0x80, $0x38;
	[tilespmem:$0x7100] =	vst v63  }
0x128: {  	s29 =	sadd.s32 $0x1100, s26;
	s31 =	sadd.s32 $0x180, s28  }
0x129: {  	[hbm4b:s31+s2] =	stream.linear.scatter [tilespmem:s29], [sflag:$0x1], $0x80, $0x38;
	[tilespmem:$0x7100] =	vst v63  }
0x12a: {  	s29 =	sadd.s32 $0x1500, s26;
	s31 =	sadd.s32 $0x200, s28  }
0x12b: {  	[hbm4b:s31+s2] =	stream.linear.scatter [tilespmem:s29], [sflag:$0x1], $0x80, $0x38;
	[tilespmem:$0x7100] =	vst v63  }
0x12c: {  	s29 =	sadd.s32 $0x1900, s26;
	s31 =	sadd.s32 $0x280, s28  }
0x12d: {  	[hbm4b:s31+s2] =	stream.linear.scatter [tilespmem:s29], [sflag:$0x1], $0x80, $0x38;
	[tilespmem:$0x7100] =	vst v63  }
0x12e: {  	s29 =	sadd.s32 $0x1D00, s26;
	s31 =	sadd.s32 $0x300, s28  }
0x12f: {  	[hbm4b:s31+s2] =	stream.linear.scatter [tilespmem:s29], [sflag:$0x1], $0x80, $0x38;
	[tilespmem:$0x7100] =	vst v63  }
0x130: {  	s29 =	sadd.s32 $0x2100, s26;
	s31 =	sadd.s32 $0x380, s28  }
0x131: {  	[hbm4b:s31+s2] =	stream.linear.scatter [tilespmem:s29], [sflag:$0x1], $0x80, $0x38;
	[tilespmem:$0x7100] =	vst v63  }
0x132: {  	s31 =	spop (v2sf)  }
0x133: {  	s26 =	sadd.s32 $0x2500, s26;
	s28 =	sadd.s32 $0x400, s28;
	s29 =	sshrl.u32 s31, $0x3  }
0x134: {  	[hbm4b:s28+s2] =	stream.linear.scatter [tilespmem:s26], [sflag:$0x1], $0x80, $0x38;
	[tilespmem:$0x7100] =	vst v63  }
0x135: {  	s28 =	smul.u32 $0x9000, s29  }
0x136: {  	s26 =	sshll.u32 s31, $0x7  }
0x137: {  	s26 =	sand.u32 $0x380, s26;
	s28 =	sshra.s32 s28, $0x2  }
0x138: {  	s26 =	sor.u32 s26, s28  }
0x139: {  	s28 =	sadd.s32 s25, s11;
	s30 =	sadd.s32 $0x500, s26  }
0x13a: {  	(v2sf) =	vpush v0, $0xD;
	[hbm4b:s28+s2] =	stream.linear.scatter [tilespmem:s30], [sflag:$0x1], $0x80, $0x38;
	[tilespmem:$0x7100] =	vst v63  }
0x13b: {  	s29 =	sadd.s32 $0x900, s26;
	s31 =	sadd.s32 $0x80, s28  }
0x13c: {  	[hbm4b:s31+s2] =	stream.linear.scatter [tilespmem:s29], [sflag:$0x1], $0x80, $0x38;
	[tilespmem:$0x7100] =	vst v63  }
0x13d: {  	s29 =	sadd.s32 $0xD00, s26;
	s31 =	sadd.s32 $0x100, s28  }
0x13e: {  	[hbm4b:s31+s2] =	stream.linear.scatter [tilespmem:s29], [sflag:$0x1], $0x80, $0x38;
	[tilespmem:$0x7100] =	vst v63  }
0x13f: {  	s29 =	sadd.s32 $0x1100, s26;
	s31 =	sadd.s32 $0x180, s28  }
0x140: {  	[hbm4b:s31+s2] =	stream.linear.scatter [tilespmem:s29], [sflag:$0x1], $0x80, $0x38;
	[tilespmem:$0x7100] =	vst v63  }
0x141: {  	s29 =	sadd.s32 $0x1500, s26;
	s31 =	sadd.s32 $0x200, s28  }
0x142: {  	[hbm4b:s31+s2] =	stream.linear.scatter [tilespmem:s29], [sflag:$0x1], $0x80, $0x38;
	[tilespmem:$0x7100] =	vst v63  }
0x143: {  	s29 =	sadd.s32 $0x1900, s26;
	s31 =	sadd.s32 $0x280, s28  }
0x144: {  	[hbm4b:s31+s2] =	stream.linear.scatter [tilespmem:s29], [sflag:$0x1], $0x80, $0x38;
	[tilespmem:$0x7100] =	vst v63  }
0x145: {  	s29 =	sadd.s32 $0x1D00, s26;
	s31 =	sadd.s32 $0x300, s28  }
0x146: {  	[hbm4b:s31+s2] =	stream.linear.scatter [tilespmem:s29], [sflag:$0x1], $0x80, $0x38;
	[tilespmem:$0x7100] =	vst v63  }
0x147: {  	s29 =	sadd.s32 $0x2100, s26;
	s31 =	sadd.s32 $0x380, s28  }
0x148: {  	[hbm4b:s31+s2] =	stream.linear.scatter [tilespmem:s29], [sflag:$0x1], $0x80, $0x38;
	[tilespmem:$0x7100] =	vst v63  }
0x149: {  	s31 =	spop (v2sf)  }
0x14a: {  	s26 =	sadd.s32 $0x2500, s26;
	s28 =	sadd.s32 $0x400, s28;
	s29 =	sshrl.u32 s31, $0x3  }
0x14b: {  	[hbm4b:s28+s2] =	stream.linear.scatter [tilespmem:s26], [sflag:$0x1], $0x80, $0x38;
	[tilespmem:$0x7100] =	vst v63  }
0x14c: {  	s28 =	smul.u32 $0x9000, s29  }
0x14d: {  	s26 =	sshll.u32 s31, $0x7  }
0x14e: {  	s26 =	sand.u32 $0x380, s26;
	s28 =	sshra.s32 s28, $0x2  }
0x14f: {  	s26 =	sor.u32 s26, s28  }
0x150: {  	s28 =	sadd.s32 s25, s12;
	s30 =	sadd.s32 $0x500, s26  }
0x151: {  	(v2sf) =	vpush v0, $0xE;
	[hbm4b:s28+s2] =	stream.linear.scatter [tilespmem:s30], [sflag:$0x1], $0x80, $0x38;
	[tilespmem:$0x7100] =	vst v63  }
0x152: {  	s29 =	sadd.s32 $0x900, s26;
	s31 =	sadd.s32 $0x80, s28  }
0x153: {  	[hbm4b:s31+s2] =	stream.linear.scatter [tilespmem:s29], [sflag:$0x1], $0x80, $0x38;
	[tilespmem:$0x7100] =	vst v63  }
0x154: {  	s29 =	sadd.s32 $0xD00, s26;
	s31 =	sadd.s32 $0x100, s28  }
0x155: {  	[hbm4b:s31+s2] =	stream.linear.scatter [tilespmem:s29], [sflag:$0x1], $0x80, $0x38;
	[tilespmem:$0x7100] =	vst v63  }
0x156: {  	s29 =	sadd.s32 $0x1100, s26;
	s31 =	sadd.s32 $0x180, s28  }
0x157: {  	[hbm4b:s31+s2] =	stream.linear.scatter [tilespmem:s29], [sflag:$0x1], $0x80, $0x38;
	[tilespmem:$0x7100] =	vst v63  }
0x158: {  	s29 =	sadd.s32 $0x1500, s26;
	s31 =	sadd.s32 $0x200, s28  }
0x159: {  	[hbm4b:s31+s2] =	stream.linear.scatter [tilespmem:s29], [sflag:$0x1], $0x80, $0x38;
	[tilespmem:$0x7100] =	vst v63  }
0x15a: {  	s29 =	sadd.s32 $0x1900, s26;
	s31 =	sadd.s32 $0x280, s28  }
0x15b: {  	[hbm4b:s31+s2] =	stream.linear.scatter [tilespmem:s29], [sflag:$0x1], $0x80, $0x38;
	[tilespmem:$0x7100] =	vst v63  }
0x15c: {  	s29 =	sadd.s32 $0x1D00, s26;
	s31 =	sadd.s32 $0x300, s28  }
0x15d: {  	[hbm4b:s31+s2] =	stream.linear.scatter [tilespmem:s29], [sflag:$0x1], $0x80, $0x38;
	[tilespmem:$0x7100] =	vst v63  }
0x15e: {  	s29 =	sadd.s32 $0x2100, s26;
	s31 =	sadd.s32 $0x380, s28  }
0x15f: {  	[hbm4b:s31+s2] =	stream.linear.scatter [tilespmem:s29], [sflag:$0x1], $0x80, $0x38;
	[tilespmem:$0x7100] =	vst v63  }
0x160: {  	s31 =	spop (v2sf)  }
0x161: {  	s26 =	sadd.s32 $0x2500, s26;
	s28 =	sadd.s32 $0x400, s28;
	s29 =	sshrl.u32 s31, $0x3  }
0x162: {  	[hbm4b:s28+s2] =	stream.linear.scatter [tilespmem:s26], [sflag:$0x1], $0x80, $0x38;
	[tilespmem:$0x7100] =	vst v63  }
0x163: {  	s28 =	smul.u32 $0x9000, s29  }
0x164: {  	s26 =	sshll.u32 s31, $0x7  }
0x165: {  	s26 =	sand.u32 $0x380, s26;
	s28 =	sshra.s32 s28, $0x2  }
0x166: {  	s26 =	sor.u32 s26, s28  }
0x167: {  	s28 =	sadd.s32 s25, s13;
	s30 =	sadd.s32 $0x500, s26  }
0x168: {  	(v2sf) =	vpush v0, $0xF;
	[hbm4b:s28+s2] =	stream.linear.scatter [tilespmem:s30], [sflag:$0x1], $0x80, $0x38;
	[tilespmem:$0x7100] =	vst v63  }
0x169: {  	s29 =	sadd.s32 $0x900, s26;
	s31 =	sadd.s32 $0x80, s28  }
0x16a: {  	[hbm4b:s31+s2] =	stream.linear.scatter [tilespmem:s29], [sflag:$0x1], $0x80, $0x38;
	[tilespmem:$0x7100] =	vst v63  }
0x16b: {  	s29 =	sadd.s32 $0xD00, s26;
	s31 =	sadd.s32 $0x100, s28  }
0x16c: {  	[hbm4b:s31+s2] =	stream.linear.scatter [tilespmem:s29], [sflag:$0x1], $0x80, $0x38;
	[tilespmem:$0x7100] =	vst v63  }
0x16d: {  	s29 =	sadd.s32 $0x1100, s26;
	s31 =	sadd.s32 $0x180, s28  }
0x16e: {  	[hbm4b:s31+s2] =	stream.linear.scatter [tilespmem:s29], [sflag:$0x1], $0x80, $0x38;
	[tilespmem:$0x7100] =	vst v63  }
0x16f: {  	s29 =	sadd.s32 $0x1500, s26;
	s31 =	sadd.s32 $0x200, s28  }
0x170: {  	[hbm4b:s31+s2] =	stream.linear.scatter [tilespmem:s29], [sflag:$0x1], $0x80, $0x38;
	[tilespmem:$0x7100] =	vst v63  }
0x171: {  	s29 =	sadd.s32 $0x1900, s26;
	s31 =	sadd.s32 $0x280, s28  }
0x172: {  	[hbm4b:s31+s2] =	stream.linear.scatter [tilespmem:s29], [sflag:$0x1], $0x80, $0x38;
	[tilespmem:$0x7100] =	vst v63  }
0x173: {  	s29 =	sadd.s32 $0x1D00, s26;
	s31 =	sadd.s32 $0x300, s28  }
0x174: {  	[hbm4b:s31+s2] =	stream.linear.scatter [tilespmem:s29], [sflag:$0x1], $0x80, $0x38;
	[tilespmem:$0x7100] =	vst v63  }
0x175: {  	s29 =	sadd.s32 $0x2100, s26;
	s31 =	sadd.s32 $0x380, s28  }
0x176: {  	[hbm4b:s31+s2] =	stream.linear.scatter [tilespmem:s29], [sflag:$0x1], $0x80, $0x38;
	[tilespmem:$0x7100] =	vst v63  }
0x177: {  	s31 =	spop (v2sf)  }
0x178: {  	s26 =	sadd.s32 $0x2500, s26;
	s28 =	sadd.s32 $0x400, s28;
	s29 =	sshrl.u32 s31, $0x3  }
0x179: {  	[hbm4b:s28+s2] =	stream.linear.scatter [tilespmem:s26], [sflag:$0x1], $0x80, $0x38;
	[tilespmem:$0x7100] =	vst v63  }
0x17a: {  	s28 =	smul.u32 $0x9000, s29  }
0x17b: {  	s26 =	sshll.u32 s31, $0x7  }
0x17c: {  	s26 =	sand.u32 $0x380, s26;
	s28 =	sshra.s32 s28, $0x2  }
0x17d: {  	s26 =	sor.u32 s26, s28  }
0x17e: {  	s25 =	sadd.s32 s25, s14;
	s28 =	sadd.s32 $0x500, s26  }
0x17f: {  	[hbm4b:s25+s2] =	stream.linear.scatter [tilespmem:s28], [sflag:$0x1], $0x80, $0x38;
	[tilespmem:$0x7100] =	vst v63  }
0x180: {  	s31 =	sadd.s32 $0x80, s25;
	s30 =	sadd.s32 $0x900, s26  }
0x181: {  	[hbm4b:s31+s2] =	stream.linear.scatter [tilespmem:s30], [sflag:$0x1], $0x80, $0x38;
	[tilespmem:$0x7100] =	vst v63  }
0x182: {  	s30 =	sadd.s32 $0xD00, s26;
	s31 =	sadd.s32 $0x100, s25  }
0x183: {  	[hbm4b:s31+s2] =	stream.linear.scatter [tilespmem:s30], [sflag:$0x1], $0x80, $0x38;
	[tilespmem:$0x7100] =	vst v63  }
0x184: {  	s30 =	sadd.s32 $0x1100, s26;
	s31 =	sadd.s32 $0x180, s25  }
0x185: {  	[hbm4b:s31+s2] =	stream.linear.scatter [tilespmem:s30], [sflag:$0x1], $0x80, $0x38;
	[tilespmem:$0x7100] =	vst v63  }
0x186: {  	s30 =	sadd.s32 $0x1500, s26;
	s31 =	sadd.s32 $0x200, s25  }
0x187: {  	[hbm4b:s31+s2] =	stream.linear.scatter [tilespmem:s30], [sflag:$0x1], $0x80, $0x38;
	[tilespmem:$0x7100] =	vst v63  }
0x188: {  	s30 =	sadd.s32 $0x1900, s26;
	s31 =	sadd.s32 $0x280, s25  }
0x189: {  	[hbm4b:s31+s2] =	stream.linear.scatter [tilespmem:s30], [sflag:$0x1], $0x80, $0x38;
	[tilespmem:$0x7100] =	vst v63  }
0x18a: {  	p1 =	sne.s32 s24, $0x13C0;
	s30 =	sadd.s32 $0x1D00, s26;
	s31 =	sadd.s32 $0x300, s25  }
0x18b: {  	[hbm4b:s31+s2] =	stream.linear.scatter [tilespmem:s30], [sflag:$0x1], $0x80, $0x38;
	[tilespmem:$0x7100] =	vst v63  }
.Ltmp0:
0x18c: {  	_ = 	snop;
	(pc) =	sbr.rel @p1 .LBB2_2-.Ltmp0, $4  }
0x18d: {  	s23 =	sadd.s32 $0x10, s23;
	s30 =	sadd.s32 $0x2100, s26;
	s31 =	sadd.s32 $0x380, s25  }
0x18e: {  	[hbm4b:s31+s2] =	stream.linear.scatter [tilespmem:s30], [sflag:$0x1], $0x80, $0x38;
	[tilespmem:$0x7100] =	vst v63  }
0x18f: {  	s24 =	sadd.s32 $0x40, s24;
	s26 =	sadd.s32 $0x2500, s26;
	s25 =	sadd.s32 $0x400, s25  }
0x190: {  	[hbm4b:s25+s2] =	stream.linear.scatter [tilespmem:s26], [sflag:$0x1], $0x80, $0x38;
	[tilespmem:$0x7100] =	vst v63  }
0x191: {  	_ =	swait.ge [sflag:s4], $0x480  }
0x192: {  	s23 =	simm.s32 $0x4FF;
	[sflag:s4] =	ssyncset.done $0x0  }
.LBB2_4:
0x193: {  	p1 =	sne.s32 s23, $0x1;
	s23 =	sadd.s32 $0xFFFFFFFF, s23;
	[sflag:s4] =	ssyncadd.s32 $0xFFFFFB80  }
.Ltmp1:
0x194: {  	(pc) =	sbr.rel @p1 .LBB2_4-.Ltmp1, $3  }
0x195: {  	_ =	sdelay $0x1  }
0x196: {  	_ =	swait.ge [sflag:s4], $0x480  }
0x197: {  	[sflag:s4] =	ssyncset.done $0x0  }
0x198: {  	s22 =	sadd.s32 $0x1, s22  }
0x199: {  	p1 =	sne.s32 s22, s15  }
.Ltmp2:
0x19a: {  	_ = 	snop;
	(pc) =	sbr.rel @p1 .LBB2_1-.Ltmp2, $2  }
0x19b: {  	_ =	sdelay $0x2  }
0x19c: {  	[sflag:s4] =	ssyncadd.s32 $0xFFFFFB80  }
0x19d: {  	_ =	sfence.sel $0x180000  }
0x19e: {  	[bflag:$0x0] =	sbarrier.arrive $0xFFFF  }
0x19f: {  	_ =	strace $0x90000047  }
0x1a0: {  	s0 =	sadd.s32 @!p0 $0x100000, s0;
	[bflag:$0x2] =	sbarrier.arrive $0xFFFF  }
0x1a1: {  	[sflag:s0] =	ssyncadd.tile.s32 @!p0 $0x1;
	_ =	shalt  }
.Lfunc_end2:
_tile_overlayer_lowered:
.L_overlay_start_2:
0x1a2: {  	(tag) =	ssettag $0x2  }
0x1a3: {  	s0 =	rddreg [dreg:$0x0];
	s2 =	stileid.u32  }
0x1a4: {  	s1 =	rddreg [dreg:$0x1];
	p0 =	sne.s32 s2, $0x0  }
0x1a5: {  	s3 =	rddreg [dreg:$0x2];
	[bflag:$0x3] =	sbarrier.arrive $0xFFFF;
	s2 =	simm.s32 @!p0 $0x1C02  }
0x1a6: {  	[timem:s3], [sflag:s2] =	dma.local @!p0 [hbm:s0], s1  }
0x1a7: {  	s0 =	simm.s32 @!p0 $0x2  }
0x1a8: {  	_ =	swait.ge @!p0 [sflag:s0], s1  }
0x1a9: {  	s1 =	ssub.s32 @!p0 $0x0, s1;
	[sflag:s0] =	ssyncset.done @!p0 $0x0  }
0x1aa: {  	[sflag:s0] =	ssyncadd.s32 @!p0 s1  }
0x1ab: {  	[bflag:$0x3] =	sbarrier.arrive $0xFFFF  }
0x1ac: {  	_ =	shalt  }

</sc_bundles>
